<compile_context>
chip_gen: v7x
topology: tpu7x:2x2x1
jax: 0.10.2.dev20260603
libtpu: 0.0.44.dev20260713+nightly
codegen_flags: <defaults>
</compile_context>

<pallas_src>
import functools

import jax
import jax.numpy as jnp
from jax import lax
from jax.experimental import pallas as pl
from jax.experimental.pallas import tpu as pltpu, tpu_sc as plsc

B = 16384
D = 12
HT_WORDS = 24 * 8
TAB_WORDS = 220

_info = plsc.get_sparse_core_info()
_NC, _NS, _L = _info.num_cores, _info.num_subcores, _info.num_lanes
_RPS = B // _NS
_R0 = 320
_R1 = _RPS - _R0
_CHUNKS = 8


@functools.partial(
    pl.kernel,
    mesh=plsc.VectorSubcoreMesh(core_axis_name="c", subcore_axis_name="s"),
    compiler_params=pltpu.CompilerParams(needs_layout_passes=False),
    out_type=jax.ShapeDtypeStruct((B, D), jnp.float32),
    scratch_types=[
        pltpu.VMEM((_R1,), jnp.int32),
        pltpu.VMEM((_R1,), jnp.int32),
        pltpu.VMEM((TAB_WORDS,), jnp.float32),
        pltpu.VMEM((_R1, D), jnp.float32),
        pltpu.SemaphoreType.DMA,
        pltpu.SemaphoreType.DMA,
    ],
)
def _sc_lookup(hour_hbm, dow_hbm, tab_hbm, out_hbm,
               hour_v, dow_v, tab_v, out_v, isem, osem):
    c = lax.axis_index("c")
    s = lax.axis_index("s")

    cpt = pltpu.async_copy(tab_hbm, tab_v, isem)

    lane = lax.iota(jnp.int32, _L)

    b_offs, cols = [], []
    for p in range(3):
        w = lane + 16 * p
        bo = w // D
        b_offs.append(bo)
        cols.append(w - bo * D)

    def run(base, rpt):
        rpc = rpt // _CHUNKS
        cp1 = pltpu.async_copy(hour_hbm.at[pl.ds(base, rpt)],
                               hour_v.at[pl.ds(0, rpt)], isem)
        cp2 = pltpu.async_copy(dow_hbm.at[pl.ds(base, rpt)],
                               dow_v.at[pl.ds(0, rpt)], isem)
        cp1.wait()
        cp2.wait()
        cpt.wait()

        def chunk(k, _):
            g_lo = k * (rpc // 4)

            @plsc.parallel_loop(g_lo, g_lo + rpc // 4, unroll=8)
            def _(g):
                b0 = g * 4
                for p in range(3):
                    bidx = b_offs[p] + b0
                    h_b = plsc.load_gather(hour_v, [bidx])
                    d_b = plsc.load_gather(dow_v, [bidx])
                    addr = jnp.where(cols[p] < 8,
                                     h_b * 8 + cols[p],
                                     d_b * 4 + cols[p] + (HT_WORDS - 8))
                    vals = plsc.load_gather(tab_v, [addr])
                    plsc.store_scatter(out_v, [bidx, cols[p]], vals)

            pltpu.async_copy(
                out_v.at[pl.ds(k * rpc, rpc)],
                out_hbm.at[pl.ds(base + k * rpc, rpc)],
                osem,
            )
            return _

        lax.fori_loop(0, _CHUNKS, chunk, None)
        for k in range(_CHUNKS):
            pltpu.make_async_copy(
                out_v.at[pl.ds(k * rpc, rpc)],
                out_hbm.at[pl.ds(base + k * rpc, rpc)],
                osem,
            ).wait()

    @pl.when(c == 0)
    def _():
        run(s * _RPS, _R0)

    @pl.when(c == 1)
    def _():
        run(s * _RPS + _R0, _R1)


def kernel(hour, dow, dom, hour_table, dow_table):
    del dom
    tab = jnp.concatenate([hour_table.reshape(-1), dow_table.reshape(-1)])
    return _sc_lookup(hour.astype(jnp.int32), dow.astype(jnp.int32), tab)

# --- scband reference (transcript-rebuilt; emitter-appended) ---
"""Pipeline reference for scband-time-embeddings-11123965297043 (READ-ONLY COPY).

The authoritative reference and input builder live on the scoring server;
editing this copy changes nothing except your own understanding.
"""

import jax, jax.numpy as jnp
import numpy as np

B = 16384

def setup_inputs(seed: int = 0) -> dict:
    key = jax.random.key(seed)
    k1, k2, k3, k4, k5 = jax.random.split(key, 5)
    hour = jax.random.randint(k1, (B,), 0, 24, dtype=jnp.int64 if jax.config.jax_enable_x64 else jnp.int32)
    dow = jax.random.randint(k2, (B,), 0, 7, dtype=jnp.int64 if jax.config.jax_enable_x64 else jnp.int32)
    dom = jax.random.randint(k3, (B,), 0, 31, dtype=jnp.int64 if jax.config.jax_enable_x64 else jnp.int32)
    hour_table = jax.random.normal(k4, (24, 8), dtype=jnp.float32)
    dow_table = jax.random.normal(k5, (7, 4), dtype=jnp.float32)
    return {"hour": hour, "dow": dow, "dom": dom, "hour_table": hour_table, "dow_table": dow_table}

def reference(hour, dow, dom, hour_table, dow_table):
    h = jnp.take(hour_table, hour, axis=0)
    d = jnp.take(dow_table, dow, axis=0)
    return jnp.concatenate([h, d], axis=1)

if __name__ == "__main__":
    import jax
    _d = setup_inputs()
    print(jax.jit(kernel)(*tuple(_d.values())))

</pallas_src>

<mosaic_0001>
#map = affine_map<(d0, d1) -> (0)>
#map1 = affine_map<(d0, d1) -> (0, 0)>
module attributes {stable_mosaic.version = 14 : i64} {
  func.func @_sc_lookup(%arg0: i32, %arg1: i32, %arg2: memref<16384xi32, #tpu.memory_space<hbm>>, %arg3: memref<16384xi32, #tpu.memory_space<hbm>>, %arg4: memref<220xf32, #tpu.memory_space<hbm>>, %arg5: memref<16384x12xf32, #tpu.memory_space<hbm>>, %arg6: memref<704xi32, #tpu.memory_space<vmem>>, %arg7: memref<704xi32, #tpu.memory_space<vmem>>, %arg8: memref<220xf32, #tpu.memory_space<vmem>>, %arg9: memref<704x12xf32, #tpu.memory_space<vmem>>, %arg10: memref<!tpu.dma_semaphore, #tpu.memory_space<semaphore_mem>>, %arg11: memref<!tpu.dma_semaphore, #tpu.memory_space<semaphore_mem>>) attributes {dimension_semantics = [#tpu.dimension_semantics<core_parallel>, #tpu.dimension_semantics<subcore_parallel>], iteration_bounds = array<i64: 2, 16>, scalar_prefetch = 0 : i64, scratch_operands = 6 : i64, tpu.core_type = #tpu.core_type<sc_vector_subcore>, window_params = [{transform_indices = #map}, {transform_indices = #map}, {transform_indices = #map}, {transform_indices = #map1}]} {
    tpu.enqueue_dma source(%arg4 : memref<220xf32, #tpu.memory_space<hbm>>) target(%arg8 : memref<220xf32, #tpu.memory_space<vmem>>) target_semaphore(%arg10 : memref<!tpu.dma_semaphore, #tpu.memory_space<semaphore_mem>>)
    %iota3A = tpu.iota {dimensions = array<i32: 0>} : vector<16xi32>
    %add3A = arith.constant 0 : i32
    %add3A_0 = vector.broadcast %add3A : i32 to vector<16xi32>
    %add3A_1 = arith.addi %iota3A, %add3A_0 : vector<16xi32>
    %jit3A = arith.constant 12 : i32
    %div3A = vector.broadcast %jit3A : i32 to vector<16xi32>
    %div3A_2 = arith.divsi %add3A_1, %div3A : vector<16xi32>
    %sign3A = arith.constant 0 : i32
    %sign3A_3 = vector.broadcast %sign3A : i32 to vector<16xi32>
    %sign3A_4 = arith.cmpi sgt, %add3A_1, %sign3A_3 : vector<16xi32>
    %sign3A_5 = arith.extui %sign3A_4 : vector<16xi1> to vector<16xi32>
    %sign3A_6 = arith.constant 0 : i32
    %sign3A_7 = vector.broadcast %sign3A_6 : i32 to vector<16xi32>
    %sign3A_8 = arith.cmpi slt, %add3A_1, %sign3A_7 : vector<16xi32>
    %sign3A_9 = arith.extui %sign3A_8 : vector<16xi1> to vector<16xi32>
    %sign3A_10 = arith.subi %sign3A_5, %sign3A_9 : vector<16xi32>
    %sign3A_11 = arith.constant 0 : i32
    %sign3A_12 = arith.cmpi sgt, %jit3A, %sign3A_11 : i32
    %sign3A_13 = arith.extui %sign3A_12 : i1 to i32
    %sign3A_14 = arith.constant 0 : i32
    %sign3A_15 = arith.cmpi slt, %jit3A, %sign3A_14 : i32
    %sign3A_16 = arith.extui %sign3A_15 : i1 to i32
    %sign3A_17 = arith.subi %sign3A_13, %sign3A_16 : i32
    %ne3A = vector.broadcast %sign3A_17 : i32 to vector<16xi32>
    %ne3A_18 = arith.cmpi ne, %sign3A_10, %ne3A : vector<16xi32>
    %rem3A = vector.broadcast %jit3A : i32 to vector<16xi32>
    %rem3A_19 = arith.remsi %add3A_1, %rem3A : vector<16xi32>
    %ne3A_20 = arith.constant 0 : i32
    %ne3A_21 = vector.broadcast %ne3A_20 : i32 to vector<16xi32>
    %ne3A_22 = arith.cmpi ne, %rem3A_19, %ne3A_21 : vector<16xi32>
    %and3A = arith.andi %ne3A_18, %ne3A_22 : vector<16xi1>
    %sub3A = arith.constant 1 : i32
    %sub3A_23 = vector.broadcast %sub3A : i32 to vector<16xi32>
    %sub3A_24 = arith.subi %div3A_2, %sub3A_23 : vector<16xi32>
    %select_n3A = arith.select %and3A, %sub3A_24, %div3A_2 : vector<16xi1>, vector<16xi32>
    %mul3A = arith.constant 12 : i32
    %mul3A_25 = vector.broadcast %mul3A : i32 to vector<16xi32>
    %mul3A_26 = arith.muli %select_n3A, %mul3A_25 : vector<16xi32>
    %sub3A_27 = arith.subi %add3A_1, %mul3A_26 : vector<16xi32>
    %add3A_28 = arith.constant 16 : i32
    %add3A_29 = vector.broadcast %add3A_28 : i32 to vector<16xi32>
    %add3A_30 = arith.addi %iota3A, %add3A_29 : vector<16xi32>
    %jit3A_31 = arith.constant 12 : i32
    %div3A_32 = vector.broadcast %jit3A_31 : i32 to vector<16xi32>
    %div3A_33 = arith.divsi %add3A_30, %div3A_32 : vector<16xi32>
    %sign3A_34 = arith.constant 0 : i32
    %sign3A_35 = vector.broadcast %sign3A_34 : i32 to vector<16xi32>
    %sign3A_36 = arith.cmpi sgt, %add3A_30, %sign3A_35 : vector<16xi32>
    %sign3A_37 = arith.extui %sign3A_36 : vector<16xi1> to vector<16xi32>
    %sign3A_38 = arith.constant 0 : i32
    %sign3A_39 = vector.broadcast %sign3A_38 : i32 to vector<16xi32>
    %sign3A_40 = arith.cmpi slt, %add3A_30, %sign3A_39 : vector<16xi32>
    %sign3A_41 = arith.extui %sign3A_40 : vector<16xi1> to vector<16xi32>
    %sign3A_42 = arith.subi %sign3A_37, %sign3A_41 : vector<16xi32>
    %sign3A_43 = arith.constant 0 : i32
    %sign3A_44 = arith.cmpi sgt, %jit3A_31, %sign3A_43 : i32
    %sign3A_45 = arith.extui %sign3A_44 : i1 to i32
    %sign3A_46 = arith.constant 0 : i32
    %sign3A_47 = arith.cmpi slt, %jit3A_31, %sign3A_46 : i32
    %sign3A_48 = arith.extui %sign3A_47 : i1 to i32
    %sign3A_49 = arith.subi %sign3A_45, %sign3A_48 : i32
    %ne3A_50 = vector.broadcast %sign3A_49 : i32 to vector<16xi32>
    %ne3A_51 = arith.cmpi ne, %sign3A_42, %ne3A_50 : vector<16xi32>
    %rem3A_52 = vector.broadcast %jit3A_31 : i32 to vector<16xi32>
    %rem3A_53 = arith.remsi %add3A_30, %rem3A_52 : vector<16xi32>
    %ne3A_54 = arith.constant 0 : i32
    %ne3A_55 = vector.broadcast %ne3A_54 : i32 to vector<16xi32>
    %ne3A_56 = arith.cmpi ne, %rem3A_53, %ne3A_55 : vector<16xi32>
    %and3A_57 = arith.andi %ne3A_51, %ne3A_56 : vector<16xi1>
    %sub3A_58 = arith.constant 1 : i32
    %sub3A_59 = vector.broadcast %sub3A_58 : i32 to vector<16xi32>
    %sub3A_60 = arith.subi %div3A_33, %sub3A_59 : vector<16xi32>
    %select_n3A_61 = arith.select %and3A_57, %sub3A_60, %div3A_33 : vector<16xi1>, vector<16xi32>
    %mul3A_62 = arith.constant 12 : i32
    %mul3A_63 = vector.broadcast %mul3A_62 : i32 to vector<16xi32>
    %mul3A_64 = arith.muli %select_n3A_61, %mul3A_63 : vector<16xi32>
    %sub3A_65 = arith.subi %add3A_30, %mul3A_64 : vector<16xi32>
    %add3A_66 = arith.constant 32 : i32
    %add3A_67 = vector.broadcast %add3A_66 : i32 to vector<16xi32>
    %add3A_68 = arith.addi %iota3A, %add3A_67 : vector<16xi32>
    %jit3A_69 = arith.constant 12 : i32
    %div3A_70 = vector.broadcast %jit3A_69 : i32 to vector<16xi32>
    %div3A_71 = arith.divsi %add3A_68, %div3A_70 : vector<16xi32>
    %sign3A_72 = arith.constant 0 : i32
    %sign3A_73 = vector.broadcast %sign3A_72 : i32 to vector<16xi32>
    %sign3A_74 = arith.cmpi sgt, %add3A_68, %sign3A_73 : vector<16xi32>
    %sign3A_75 = arith.extui %sign3A_74 : vector<16xi1> to vector<16xi32>
    %sign3A_76 = arith.constant 0 : i32
    %sign3A_77 = vector.broadcast %sign3A_76 : i32 to vector<16xi32>
    %sign3A_78 = arith.cmpi slt, %add3A_68, %sign3A_77 : vector<16xi32>
    %sign3A_79 = arith.extui %sign3A_78 : vector<16xi1> to vector<16xi32>
    %sign3A_80 = arith.subi %sign3A_75, %sign3A_79 : vector<16xi32>
    %sign3A_81 = arith.constant 0 : i32
    %sign3A_82 = arith.cmpi sgt, %jit3A_69, %sign3A_81 : i32
    %sign3A_83 = arith.extui %sign3A_82 : i1 to i32
    %sign3A_84 = arith.constant 0 : i32
    %sign3A_85 = arith.cmpi slt, %jit3A_69, %sign3A_84 : i32
    %sign3A_86 = arith.extui %sign3A_85 : i1 to i32
    %sign3A_87 = arith.subi %sign3A_83, %sign3A_86 : i32
    %ne3A_88 = vector.broadcast %sign3A_87 : i32 to vector<16xi32>
    %ne3A_89 = arith.cmpi ne, %sign3A_80, %ne3A_88 : vector<16xi32>
    %rem3A_90 = vector.broadcast %jit3A_69 : i32 to vector<16xi32>
    %rem3A_91 = arith.remsi %add3A_68, %rem3A_90 : vector<16xi32>
    %ne3A_92 = arith.constant 0 : i32
    %ne3A_93 = vector.broadcast %ne3A_92 : i32 to vector<16xi32>
    %ne3A_94 = arith.cmpi ne, %rem3A_91, %ne3A_93 : vector<16xi32>
    %and3A_95 = arith.andi %ne3A_89, %ne3A_94 : vector<16xi1>
    %sub3A_96 = arith.constant 1 : i32
    %sub3A_97 = vector.broadcast %sub3A_96 : i32 to vector<16xi32>
    %sub3A_98 = arith.subi %div3A_71, %sub3A_97 : vector<16xi32>
    %select_n3A_99 = arith.select %and3A_95, %sub3A_98, %div3A_71 : vector<16xi1>, vector<16xi32>
    %mul3A_100 = arith.constant 12 : i32
    %mul3A_101 = vector.broadcast %mul3A_100 : i32 to vector<16xi32>
    %mul3A_102 = arith.muli %select_n3A_99, %mul3A_101 : vector<16xi32>
    %sub3A_103 = arith.subi %add3A_68, %mul3A_102 : vector<16xi32>
    %eq3A = arith.constant 0 : i32
    %eq3A_104 = arith.cmpi eq, %arg0, %eq3A : i32
    %convert_element_type3A = arith.extui %eq3A_104 : i1 to i32
    %cond3A = arith.constant 0 : i32
    %cond3A_105 = arith.cmpi ne, %convert_element_type3A, %cond3A : i32
    scf.if %cond3A_105 {
      %mul3A_111 = arith.constant 1024 : i32
      %mul3A_112 = arith.muli %arg1, %mul3A_111 : i32
      %dma_start3A = arith.constant 0 : i32
      %dma_start3A_113 = tpu.memref_slice %arg6[%dma_start3A] : memref<704xi32, #tpu.memory_space<vmem>> -> memref<320xi32, #tpu.memory_space<vmem>>
      %dma_start3A_114 = tpu.memref_slice %arg2[%mul3A_112] : memref<16384xi32, #tpu.memory_space<hbm>> -> memref<320xi32, #tpu.memory_space<hbm>>
      %dma_start3A_115 = arith.constant 0 : i32
      %dma_start3A_116 = tpu.memref_slice %arg6[%dma_start3A_115] : memref<704xi32, #tpu.memory_space<vmem>> -> memref<320xi32, #tpu.memory_space<vmem>>
      %dma_start3A_117 = tpu.memref_slice %arg2[%mul3A_112] : memref<16384xi32, #tpu.memory_space<hbm>> -> memref<320xi32, #tpu.memory_space<hbm>>
      tpu.enqueue_dma source(%dma_start3A_117 : memref<320xi32, #tpu.memory_space<hbm>>) target(%dma_start3A_116 : memref<320xi32, #tpu.memory_space<vmem>>) target_semaphore(%arg10 : memref<!tpu.dma_semaphore, #tpu.memory_space<semaphore_mem>>)
      %dma_start3A_118 = arith.constant 0 : i32
      %dma_start3A_119 = tpu.memref_slice %arg7[%dma_start3A_118] : memref<704xi32, #tpu.memory_space<vmem>> -> memref<320xi32, #tpu.memory_space<vmem>>
      %dma_start3A_120 = tpu.memref_slice %arg3[%mul3A_112] : memref<16384xi32, #tpu.memory_space<hbm>> -> memref<320xi32, #tpu.memory_space<hbm>>
      %dma_start3A_121 = arith.constant 0 : i32
      %dma_start3A_122 = tpu.memref_slice %arg7[%dma_start3A_121] : memref<704xi32, #tpu.memory_space<vmem>> -> memref<320xi32, #tpu.memory_space<vmem>>
      %dma_start3A_123 = tpu.memref_slice %arg3[%mul3A_112] : memref<16384xi32, #tpu.memory_space<hbm>> -> memref<320xi32, #tpu.memory_space<hbm>>
      tpu.enqueue_dma source(%dma_start3A_123 : memref<320xi32, #tpu.memory_space<hbm>>) target(%dma_start3A_122 : memref<320xi32, #tpu.memory_space<vmem>>) target_semaphore(%arg10 : memref<!tpu.dma_semaphore, #tpu.memory_space<semaphore_mem>>)
      %dma_wait3A = arith.constant 0 : i32
      %dma_wait3A_124 = tpu.memref_slice %arg6[%dma_wait3A] : memref<704xi32, #tpu.memory_space<vmem>> -> memref<320xi32, #tpu.memory_space<vmem>>
      %dma_wait3A_125 = tpu.memref_slice %arg2[%mul3A_112] : memref<16384xi32, #tpu.memory_space<hbm>> -> memref<320xi32, #tpu.memory_space<hbm>>
      %dma_wait3A_126 = arith.constant 0 : i32
      %dma_wait3A_127 = tpu.memref_slice %arg6[%dma_wait3A_126] : memref<704xi32, #tpu.memory_space<vmem>> -> memref<320xi32, #tpu.memory_space<vmem>>
      %dma_wait3A_128 = tpu.memref_slice %arg2[%mul3A_112] : memref<16384xi32, #tpu.memory_space<hbm>> -> memref<320xi32, #tpu.memory_space<hbm>>
      tpu.wait_dma2 semaphore(%arg10 : memref<!tpu.dma_semaphore, #tpu.memory_space<semaphore_mem>>) src(%dma_wait3A_128 : memref<320xi32, #tpu.memory_space<hbm>>) dst(%dma_wait3A_127 : memref<320xi32, #tpu.memory_space<vmem>>)
      %dma_wait3A_129 = arith.constant 0 : i32
      %dma_wait3A_130 = tpu.memref_slice %arg7[%dma_wait3A_129] : memref<704xi32, #tpu.memory_space<vmem>> -> memref<320xi32, #tpu.memory_space<vmem>>
      %dma_wait3A_131 = tpu.memref_slice %arg3[%mul3A_112] : memref<16384xi32, #tpu.memory_space<hbm>> -> memref<320xi32, #tpu.memory_space<hbm>>
      %dma_wait3A_132 = arith.constant 0 : i32
      %dma_wait3A_133 = tpu.memref_slice %arg7[%dma_wait3A_132] : memref<704xi32, #tpu.memory_space<vmem>> -> memref<320xi32, #tpu.memory_space<vmem>>
      %dma_wait3A_134 = tpu.memref_slice %arg3[%mul3A_112] : memref<16384xi32, #tpu.memory_space<hbm>> -> memref<320xi32, #tpu.memory_space<hbm>>
      tpu.wait_dma2 semaphore(%arg10 : memref<!tpu.dma_semaphore, #tpu.memory_space<semaphore_mem>>) src(%dma_wait3A_134 : memref<320xi32, #tpu.memory_space<hbm>>) dst(%dma_wait3A_133 : memref<320xi32, #tpu.memory_space<vmem>>)
      tpu.wait_dma2 semaphore(%arg10 : memref<!tpu.dma_semaphore, #tpu.memory_space<semaphore_mem>>) src(%arg4 : memref<220xf32, #tpu.memory_space<hbm>>) dst(%arg8 : memref<220xf32, #tpu.memory_space<vmem>>)
      %scan3A = arith.constant 0 : i32
      %scan3A_135 = arith.constant 8 : i32
      %scan3A_136 = arith.addi %scan3A, %scan3A_135 : i32
      %scan3A_137 = arith.constant 1 : i32
      scf.for %scan3A_235 = %scan3A to %scan3A_136 step %scan3A_137  : i32 {
        %mul3A_236 = arith.constant 10 : i32
        %mul3A_237 = arith.muli %scan3A_235, %mul3A_236 : i32
        %add3A_238 = arith.constant 10 : i32
        %add3A_239 = arith.addi %mul3A_237, %add3A_238 : i32
        %parallel_loop3A = arith.constant 1 : i32
        scf.for %parallel_loop3A_253 = %mul3A_237 to %add3A_239 step %parallel_loop3A  : i32 {
          %parallel_loop3A_254 = arith.constant 4 : i32
          %parallel_loop3A_255 = arith.muli %parallel_loop3A_253, %parallel_loop3A_254 : i32
          %parallel_loop3A_256 = vector.broadcast %parallel_loop3A_255 : i32 to vector<16xi32>
          %parallel_loop3A_257 = arith.addi %select_n3A, %parallel_loop3A_256 : vector<16xi32>
          %parallel_loop3A_258 = tpu.vector_load_idx %arg6[%parallel_loop3A_257] : memref<704xi32, #tpu.memory_space<vmem>>[vector<16xi32>], vector<16xi32>,
          %parallel_loop3A_259 = tpu.vector_load_idx %arg7[%parallel_loop3A_257] : memref<704xi32, #tpu.memory_space<vmem>>[vector<16xi32>], vector<16xi32>,
          %parallel_loop3A_260 = arith.constant 8 : i32
          %parallel_loop3A_261 = vector.broadcast %parallel_loop3A_260 : i32 to vector<16xi32>
          %parallel_loop3A_262 = arith.cmpi slt, %sub3A_27, %parallel_loop3A_261 : vector<16xi32>
          %parallel_loop3A_263 = arith.constant 8 : i32
          %parallel_loop3A_264 = vector.broadcast %parallel_loop3A_263 : i32 to vector<16xi32>
          %parallel_loop3A_265 = arith.muli %parallel_loop3A_258, %parallel_loop3A_264 : vector<16xi32>
          %parallel_loop3A_266 = arith.addi %parallel_loop3A_265, %sub3A_27 : vector<16xi32>
          %parallel_loop3A_267 = arith.constant 4 : i32
          %parallel_loop3A_268 = vector.broadcast %parallel_loop3A_267 : i32 to vector<16xi32>
          %parallel_loop3A_269 = arith.muli %parallel_loop3A_259, %parallel_loop3A_268 : vector<16xi32>
          %parallel_loop3A_270 = arith.addi %parallel_loop3A_269, %sub3A_27 : vector<16xi32>
          %parallel_loop3A_271 = arith.constant 184 : i32
          %parallel_loop3A_272 = vector.broadcast %parallel_loop3A_271 : i32 to vector<16xi32>
          %parallel_loop3A_273 = arith.addi %parallel_loop3A_270, %parallel_loop3A_272 : vector<16xi32>
          %parallel_loop3A_274 = arith.select %parallel_loop3A_262, %parallel_loop3A_266, %parallel_loop3A_273 : vector<16xi1>, vector<16xi32>
          %parallel_loop3A_275 = tpu.vector_load_idx %arg8[%parallel_loop3A_274] : memref<220xf32, #tpu.memory_space<vmem>>[vector<16xi32>], vector<16xf32>,
          tpu.vector_store_idx %arg9[%parallel_loop3A_257, %sub3A_27], %parallel_loop3A_275 : memref<704x12xf32, #tpu.memory_space<vmem>>[vector<16xi32>, vector<16xi32>], vector<16xf32>,
          %parallel_loop3A_276 = vector.broadcast %parallel_loop3A_255 : i32 to vector<16xi32>
          %parallel_loop3A_277 = arith.addi %select_n3A_61, %parallel_loop3A_276 : vector<16xi32>
          %parallel_loop3A_278 = tpu.vector_load_idx %arg6[%parallel_loop3A_277] : memref<704xi32, #tpu.memory_space<vmem>>[vector<16xi32>], vector<16xi32>,
          %parallel_loop3A_279 = tpu.vector_load_idx %arg7[%parallel_loop3A_277] : memref<704xi32, #tpu.memory_space<vmem>>[vector<16xi32>], vector<16xi32>,
          %parallel_loop3A_280 = arith.constant 8 : i32
          %parallel_loop3A_281 = vector.broadcast %parallel_loop3A_280 : i32 to vector<16xi32>
          %parallel_loop3A_282 = arith.cmpi slt, %sub3A_65, %parallel_loop3A_281 : vector<16xi32>
          %parallel_loop3A_283 = arith.constant 8 : i32
          %parallel_loop3A_284 = vector.broadcast %parallel_loop3A_283 : i32 to vector<16xi32>
          %parallel_loop3A_285 = arith.muli %parallel_loop3A_278, %parallel_loop3A_284 : vector<16xi32>
          %parallel_loop3A_286 = arith.addi %parallel_loop3A_285, %sub3A_65 : vector<16xi32>
          %parallel_loop3A_287 = arith.constant 4 : i32
          %parallel_loop3A_288 = vector.broadcast %parallel_loop3A_287 : i32 to vector<16xi32>
          %parallel_loop3A_289 = arith.muli %parallel_loop3A_279, %parallel_loop3A_288 : vector<16xi32>
          %parallel_loop3A_290 = arith.addi %parallel_loop3A_289, %sub3A_65 : vector<16xi32>
          %parallel_loop3A_291 = arith.constant 184 : i32
          %parallel_loop3A_292 = vector.broadcast %parallel_loop3A_291 : i32 to vector<16xi32>
          %parallel_loop3A_293 = arith.addi %parallel_loop3A_290, %parallel_loop3A_292 : vector<16xi32>
          %parallel_loop3A_294 = arith.select %parallel_loop3A_282, %parallel_loop3A_286, %parallel_loop3A_293 : vector<16xi1>, vector<16xi32>
          %parallel_loop3A_295 = tpu.vector_load_idx %arg8[%parallel_loop3A_294] : memref<220xf32, #tpu.memory_space<vmem>>[vector<16xi32>], vector<16xf32>,
          tpu.vector_store_idx %arg9[%parallel_loop3A_277, %sub3A_65], %parallel_loop3A_295 : memref<704x12xf32, #tpu.memory_space<vmem>>[vector<16xi32>, vector<16xi32>], vector<16xf32>,
          %parallel_loop3A_296 = vector.broadcast %parallel_loop3A_255 : i32 to vector<16xi32>
          %parallel_loop3A_297 = arith.addi %select_n3A_99, %parallel_loop3A_296 : vector<16xi32>
          %parallel_loop3A_298 = tpu.vector_load_idx %arg6[%parallel_loop3A_297] : memref<704xi32, #tpu.memory_space<vmem>>[vector<16xi32>], vector<16xi32>,
          %parallel_loop3A_299 = tpu.vector_load_idx %arg7[%parallel_loop3A_297] : memref<704xi32, #tpu.memory_space<vmem>>[vector<16xi32>], vector<16xi32>,
          %parallel_loop3A_300 = arith.constant 8 : i32
          %parallel_loop3A_301 = vector.broadcast %parallel_loop3A_300 : i32 to vector<16xi32>
          %parallel_loop3A_302 = arith.cmpi slt, %sub3A_103, %parallel_loop3A_301 : vector<16xi32>
          %parallel_loop3A_303 = arith.constant 8 : i32
          %parallel_loop3A_304 = vector.broadcast %parallel_loop3A_303 : i32 to vector<16xi32>
          %parallel_loop3A_305 = arith.muli %parallel_loop3A_298, %parallel_loop3A_304 : vector<16xi32>
          %parallel_loop3A_306 = arith.addi %parallel_loop3A_305, %sub3A_103 : vector<16xi32>
          %parallel_loop3A_307 = arith.constant 4 : i32
          %parallel_loop3A_308 = vector.broadcast %parallel_loop3A_307 : i32 to vector<16xi32>
          %parallel_loop3A_309 = arith.muli %parallel_loop3A_299, %parallel_loop3A_308 : vector<16xi32>
          %parallel_loop3A_310 = arith.addi %parallel_loop3A_309, %sub3A_103 : vector<16xi32>
          %parallel_loop3A_311 = arith.constant 184 : i32
          %parallel_loop3A_312 = vector.broadcast %parallel_loop3A_311 : i32 to vector<16xi32>
          %parallel_loop3A_313 = arith.addi %parallel_loop3A_310, %parallel_loop3A_312 : vector<16xi32>
          %parallel_loop3A_314 = arith.select %parallel_loop3A_302, %parallel_loop3A_306, %parallel_loop3A_313 : vector<16xi1>, vector<16xi32>
          %parallel_loop3A_315 = tpu.vector_load_idx %arg8[%parallel_loop3A_314] : memref<220xf32, #tpu.memory_space<vmem>>[vector<16xi32>], vector<16xf32>,
          tpu.vector_store_idx %arg9[%parallel_loop3A_297, %sub3A_103], %parallel_loop3A_315 : memref<704x12xf32, #tpu.memory_space<vmem>>[vector<16xi32>, vector<16xi32>], vector<16xf32>,
        } {sc.loop_unroll_factor = 8 : i64, sc.parallel_access}
        %mul3A_240 = arith.constant 40 : i32
        %mul3A_241 = arith.muli %scan3A_235, %mul3A_240 : i32
        %mul3A_242 = arith.constant 40 : i32
        %mul3A_243 = arith.muli %scan3A_235, %mul3A_242 : i32
        %add3A_244 = arith.addi %mul3A_112, %mul3A_243 : i32
        %dma_start3A_245 = arith.constant 0 : i32
        %dma_start3A_246 = tpu.memref_slice %arg9[%mul3A_241, %dma_start3A_245] : memref<704x12xf32, #tpu.memory_space<vmem>> -> memref<40x12xf32, #tpu.memory_space<vmem>>
        %dma_start3A_247 = arith.constant 0 : i32
        %dma_start3A_248 = tpu.memref_slice %arg5[%add3A_244, %dma_start3A_247] : memref<16384x12xf32, #tpu.memory_space<hbm>> -> memref<40x12xf32, #tpu.memory_space<hbm>>
        %dma_start3A_249 = arith.constant 0 : i32
        %dma_start3A_250 = tpu.memref_slice %arg5[%add3A_244, %dma_start3A_249] : memref<16384x12xf32, #tpu.memory_space<hbm>> -> memref<40x12xf32, #tpu.memory_space<hbm>>
        %dma_start3A_251 = arith.constant 0 : i32
        %dma_start3A_252 = tpu.memref_slice %arg9[%mul3A_241, %dma_start3A_251] : memref<704x12xf32, #tpu.memory_space<vmem>> -> memref<40x12xf32, #tpu.memory_space<vmem>>
        tpu.enqueue_dma source(%dma_start3A_252 : memref<40x12xf32, #tpu.memory_space<vmem>>) target(%dma_start3A_250 : memref<40x12xf32, #tpu.memory_space<hbm>>) target_semaphore(%arg11 : memref<!tpu.dma_semaphore, #tpu.memory_space<semaphore_mem>>)
      }
      %scan3A_138 = arith.constant 8 : i32
      %add3A_139 = arith.constant 0 : i32
      %add3A_140 = arith.addi %mul3A_112, %add3A_139 : i32
      %dma_wait3A_141 = arith.constant 0 : i32
      %dma_wait3A_142 = arith.constant 0 : i32
      %dma_wait3A_143 = tpu.memref_slice %arg9[%dma_wait3A_141, %dma_wait3A_142] : memref<704x12xf32, #tpu.memory_space<vmem>> -> memref<40x12xf32, #tpu.memory_space<vmem>>
      %dma_wait3A_144 = arith.constant 0 : i32
      %dma_wait3A_145 = tpu.memref_slice %arg5[%add3A_140, %dma_wait3A_144] : memref<16384x12xf32, #tpu.memory_space<hbm>> -> memref<40x12xf32, #tpu.memory_space<hbm>>
      %dma_wait3A_146 = arith.constant 0 : i32
      %dma_wait3A_147 = tpu.memref_slice %arg5[%add3A_140, %dma_wait3A_146] : memref<16384x12xf32, #tpu.memory_space<hbm>> -> memref<40x12xf32, #tpu.memory_space<hbm>>
      %dma_wait3A_148 = arith.constant 0 : i32
      %dma_wait3A_149 = arith.constant 0 : i32
      %dma_wait3A_150 = tpu.memref_slice %arg9[%dma_wait3A_148, %dma_wait3A_149] : memref<704x12xf32, #tpu.memory_space<vmem>> -> memref<40x12xf32, #tpu.memory_space<vmem>>
      tpu.wait_dma2 semaphore(%arg11 : memref<!tpu.dma_semaphore, #tpu.memory_space<semaphore_mem>>) src(%dma_wait3A_150 : memref<40x12xf32, #tpu.memory_space<vmem>>) dst(%dma_wait3A_147 : memref<40x12xf32, #tpu.memory_space<hbm>>)
      %add3A_151 = arith.constant 40 : i32
      %add3A_152 = arith.addi %mul3A_112, %add3A_151 : i32
      %dma_wait3A_153 = arith.constant 40 : i32
      %dma_wait3A_154 = arith.constant 0 : i32
      %dma_wait3A_155 = tpu.memref_slice %arg9[%dma_wait3A_153, %dma_wait3A_154] : memref<704x12xf32, #tpu.memory_space<vmem>> -> memref<40x12xf32, #tpu.memory_space<vmem>>
      %dma_wait3A_156 = arith.constant 0 : i32
      %dma_wait3A_157 = tpu.memref_slice %arg5[%add3A_152, %dma_wait3A_156] : memref<16384x12xf32, #tpu.memory_space<hbm>> -> memref<40x12xf32, #tpu.memory_space<hbm>>
      %dma_wait3A_158 = arith.constant 0 : i32
      %dma_wait3A_159 = tpu.memref_slice %arg5[%add3A_152, %dma_wait3A_158] : memref<16384x12xf32, #tpu.memory_space<hbm>> -> memref<40x12xf32, #tpu.memory_space<hbm>>
      %dma_wait3A_160 = arith.constant 40 : i32
      %dma_wait3A_161 = arith.constant 0 : i32
      %dma_wait3A_162 = tpu.memref_slice %arg9[%dma_wait3A_160, %dma_wait3A_161] : memref<704x12xf32, #tpu.memory_space<vmem>> -> memref<40x12xf32, #tpu.memory_space<vmem>>
      tpu.wait_dma2 semaphore(%arg11 : memref<!tpu.dma_semaphore, #tpu.memory_space<semaphore_mem>>) src(%dma_wait3A_162 : memref<40x12xf32, #tpu.memory_space<vmem>>) dst(%dma_wait3A_159 : memref<40x12xf32, #tpu.memory_space<hbm>>)
      %add3A_163 = arith.constant 80 : i32
      %add3A_164 = arith.addi %mul3A_112, %add3A_163 : i32
      %dma_wait3A_165 = arith.constant 80 : i32
      %dma_wait3A_166 = arith.constant 0 : i32
      %dma_wait3A_167 = tpu.memref_slice %arg9[%dma_wait3A_165, %dma_wait3A_166] : memref<704x12xf32, #tpu.memory_space<vmem>> -> memref<40x12xf32, #tpu.memory_space<vmem>>
      %dma_wait3A_168 = arith.constant 0 : i32
      %dma_wait3A_169 = tpu.memref_slice %arg5[%add3A_164, %dma_wait3A_168] : memref<16384x12xf32, #tpu.memory_space<hbm>> -> memref<40x12xf32, #tpu.memory_space<hbm>>
      %dma_wait3A_170 = arith.constant 0 : i32
      %dma_wait3A_171 = tpu.memref_slice %arg5[%add3A_164, %dma_wait3A_170] : memref<16384x12xf32, #tpu.memory_space<hbm>> -> memref<40x12xf32, #tpu.memory_space<hbm>>
      %dma_wait3A_172 = arith.constant 80 : i32
      %dma_wait3A_173 = arith.constant 0 : i32
      %dma_wait3A_174 = tpu.memref_slice %arg9[%dma_wait3A_172, %dma_wait3A_173] : memref<704x12xf32, #tpu.memory_space<vmem>> -> memref<40x12xf32, #tpu.memory_space<vmem>>
      tpu.wait_dma2 semaphore(%arg11 : memref<!tpu.dma_semaphore, #tpu.memory_space<semaphore_mem>>) src(%dma_wait3A_174 : memref<40x12xf32, #tpu.memory_space<vmem>>) dst(%dma_wait3A_171 : memref<40x12xf32, #tpu.memory_space<hbm>>)
      %add3A_175 = arith.constant 120 : i32
      %add3A_176 = arith.addi %mul3A_112, %add3A_175 : i32
      %dma_wait3A_177 = arith.constant 120 : i32
      %dma_wait3A_178 = arith.constant 0 : i32
      %dma_wait3A_179 = tpu.memref_slice %arg9[%dma_wait3A_177, %dma_wait3A_178] : memref<704x12xf32, #tpu.memory_space<vmem>> -> memref<40x12xf32, #tpu.memory_space<vmem>>
      %dma_wait3A_180 = arith.constant 0 : i32
      %dma_wait3A_181 = tpu.memref_slice %arg5[%add3A_176, %dma_wait3A_180] : memref<16384x12xf32, #tpu.memory_space<hbm>> -> memref<40x12xf32, #tpu.memory_space<hbm>>
      %dma_wait3A_182 = arith.constant 0 : i32
      %dma_wait3A_183 = tpu.memref_slice %arg5[%add3A_176, %dma_wait3A_182] : memref<16384x12xf32, #tpu.memory_space<hbm>> -> memref<40x12xf32, #tpu.memory_space<hbm>>
      %dma_wait3A_184 = arith.constant 120 : i32
      %dma_wait3A_185 = arith.constant 0 : i32
      %dma_wait3A_186 = tpu.memref_slice %arg9[%dma_wait3A_184, %dma_wait3A_185] : memref<704x12xf32, #tpu.memory_space<vmem>> -> memref<40x12xf32, #tpu.memory_space<vmem>>
      tpu.wait_dma2 semaphore(%arg11 : memref<!tpu.dma_semaphore, #tpu.memory_space<semaphore_mem>>) src(%dma_wait3A_186 : memref<40x12xf32, #tpu.memory_space<vmem>>) dst(%dma_wait3A_183 : memref<40x12xf32, #tpu.memory_space<hbm>>)
      %add3A_187 = arith.constant 160 : i32
      %add3A_188 = arith.addi %mul3A_112, %add3A_187 : i32
      %dma_wait3A_189 = arith.constant 160 : i32
      %dma_wait3A_190 = arith.constant 0 : i32
      %dma_wait3A_191 = tpu.memref_slice %arg9[%dma_wait3A_189, %dma_wait3A_190] : memref<704x12xf32, #tpu.memory_space<vmem>> -> memref<40x12xf32, #tpu.memory_space<vmem>>
      %dma_wait3A_192 = arith.constant 0 : i32
      %dma_wait3A_193 = tpu.memref_slice %arg5[%add3A_188, %dma_wait3A_192] : memref<16384x12xf32, #tpu.memory_space<hbm>> -> memref<40x12xf32, #tpu.memory_space<hbm>>
      %dma_wait3A_194 = arith.constant 0 : i32
      %dma_wait3A_195 = tpu.memref_slice %arg5[%add3A_188, %dma_wait3A_194] : memref<16384x12xf32, #tpu.memory_space<hbm>> -> memref<40x12xf32, #tpu.memory_space<hbm>>
      %dma_wait3A_196 = arith.constant 160 : i32
      %dma_wait3A_197 = arith.constant 0 : i32
      %dma_wait3A_198 = tpu.memref_slice %arg9[%dma_wait3A_196, %dma_wait3A_197] : memref<704x12xf32, #tpu.memory_space<vmem>> -> memref<40x12xf32, #tpu.memory_space<vmem>>
      tpu.wait_dma2 semaphore(%arg11 : memref<!tpu.dma_semaphore, #tpu.memory_space<semaphore_mem>>) src(%dma_wait3A_198 : memref<40x12xf32, #tpu.memory_space<vmem>>) dst(%dma_wait3A_195 : memref<40x12xf32, #tpu.memory_space<hbm>>)
      %add3A_199 = arith.constant 200 : i32
      %add3A_200 = arith.addi %mul3A_112, %add3A_199 : i32
      %dma_wait3A_201 = arith.constant 200 : i32
      %dma_wait3A_202 = arith.constant 0 : i32
      %dma_wait3A_203 = tpu.memref_slice %arg9[%dma_wait3A_201, %dma_wait3A_202] : memref<704x12xf32, #tpu.memory_space<vmem>> -> memref<40x12xf32, #tpu.memory_space<vmem>>
      %dma_wait3A_204 = arith.constant 0 : i32
      %dma_wait3A_205 = tpu.memref_slice %arg5[%add3A_200, %dma_wait3A_204] : memref<16384x12xf32, #tpu.memory_space<hbm>> -> memref<40x12xf32, #tpu.memory_space<hbm>>
      %dma_wait3A_206 = arith.constant 0 : i32
      %dma_wait3A_207 = tpu.memref_slice %arg5[%add3A_200, %dma_wait3A_206] : memref<16384x12xf32, #tpu.memory_space<hbm>> -> memref<40x12xf32, #tpu.memory_space<hbm>>
      %dma_wait3A_208 = arith.constant 200 : i32
      %dma_wait3A_209 = arith.constant 0 : i32
      %dma_wait3A_210 = tpu.memref_slice %arg9[%dma_wait3A_208, %dma_wait3A_209] : memref<704x12xf32, #tpu.memory_space<vmem>> -> memref<40x12xf32, #tpu.memory_space<vmem>>
      tpu.wait_dma2 semaphore(%arg11 : memref<!tpu.dma_semaphore, #tpu.memory_space<semaphore_mem>>) src(%dma_wait3A_210 : memref<40x12xf32, #tpu.memory_space<vmem>>) dst(%dma_wait3A_207 : memref<40x12xf32, #tpu.memory_space<hbm>>)
      %add3A_211 = arith.constant 240 : i32
      %add3A_212 = arith.addi %mul3A_112, %add3A_211 : i32
      %dma_wait3A_213 = arith.constant 240 : i32
      %dma_wait3A_214 = arith.constant 0 : i32
      %dma_wait3A_215 = tpu.memref_slice %arg9[%dma_wait3A_213, %dma_wait3A_214] : memref<704x12xf32, #tpu.memory_space<vmem>> -> memref<40x12xf32, #tpu.memory_space<vmem>>
      %dma_wait3A_216 = arith.constant 0 : i32
      %dma_wait3A_217 = tpu.memref_slice %arg5[%add3A_212, %dma_wait3A_216] : memref<16384x12xf32, #tpu.memory_space<hbm>> -> memref<40x12xf32, #tpu.memory_space<hbm>>
      %dma_wait3A_218 = arith.constant 0 : i32
      %dma_wait3A_219 = tpu.memref_slice %arg5[%add3A_212, %dma_wait3A_218] : memref<16384x12xf32, #tpu.memory_space<hbm>> -> memref<40x12xf32, #tpu.memory_space<hbm>>
      %dma_wait3A_220 = arith.constant 240 : i32
      %dma_wait3A_221 = arith.constant 0 : i32
      %dma_wait3A_222 = tpu.memref_slice %arg9[%dma_wait3A_220, %dma_wait3A_221] : memref<704x12xf32, #tpu.memory_space<vmem>> -> memref<40x12xf32, #tpu.memory_space<vmem>>
      tpu.wait_dma2 semaphore(%arg11 : memref<!tpu.dma_semaphore, #tpu.memory_space<semaphore_mem>>) src(%dma_wait3A_222 : memref<40x12xf32, #tpu.memory_space<vmem>>) dst(%dma_wait3A_219 : memref<40x12xf32, #tpu.memory_space<hbm>>)
      %add3A_223 = arith.constant 280 : i32
      %add3A_224 = arith.addi %mul3A_112, %add3A_223 : i32
      %dma_wait3A_225 = arith.constant 280 : i32
      %dma_wait3A_226 = arith.constant 0 : i32
      %dma_wait3A_227 = tpu.memref_slice %arg9[%dma_wait3A_225, %dma_wait3A_226] : memref<704x12xf32, #tpu.memory_space<vmem>> -> memref<40x12xf32, #tpu.memory_space<vmem>>
      %dma_wait3A_228 = arith.constant 0 : i32
      %dma_wait3A_229 = tpu.memref_slice %arg5[%add3A_224, %dma_wait3A_228] : memref<16384x12xf32, #tpu.memory_space<hbm>> -> memref<40x12xf32, #tpu.memory_space<hbm>>
      %dma_wait3A_230 = arith.constant 0 : i32
      %dma_wait3A_231 = tpu.memref_slice %arg5[%add3A_224, %dma_wait3A_230] : memref<16384x12xf32, #tpu.memory_space<hbm>> -> memref<40x12xf32, #tpu.memory_space<hbm>>
      %dma_wait3A_232 = arith.constant 280 : i32
      %dma_wait3A_233 = arith.constant 0 : i32
      %dma_wait3A_234 = tpu.memref_slice %arg9[%dma_wait3A_232, %dma_wait3A_233] : memref<704x12xf32, #tpu.memory_space<vmem>> -> memref<40x12xf32, #tpu.memory_space<vmem>>
      tpu.wait_dma2 semaphore(%arg11 : memref<!tpu.dma_semaphore, #tpu.memory_space<semaphore_mem>>) src(%dma_wait3A_234 : memref<40x12xf32, #tpu.memory_space<vmem>>) dst(%dma_wait3A_231 : memref<40x12xf32, #tpu.memory_space<hbm>>)
    } else {
    }
    %eq3A_106 = arith.constant 1 : i32
    %eq3A_107 = arith.cmpi eq, %arg0, %eq3A_106 : i32
    %convert_element_type3A_108 = arith.extui %eq3A_107 : i1 to i32
    %cond3A_109 = arith.constant 0 : i32
    %cond3A_110 = arith.cmpi ne, %convert_element_type3A_108, %cond3A_109 : i32
    scf.if %cond3A_110 {
      %mul3A_111 = arith.constant 1024 : i32
      %mul3A_112 = arith.muli %arg1, %mul3A_111 : i32
      %add3A_113 = arith.constant 320 : i32
      %add3A_114 = arith.addi %mul3A_112, %add3A_113 : i32
      %dma_start3A = arith.constant 0 : i32
      %dma_start3A_115 = tpu.memref_slice %arg6[%dma_start3A] : memref<704xi32, #tpu.memory_space<vmem>> -> memref<704xi32, #tpu.memory_space<vmem>>
      %dma_start3A_116 = tpu.memref_slice %arg2[%add3A_114] : memref<16384xi32, #tpu.memory_space<hbm>> -> memref<704xi32, #tpu.memory_space<hbm>>
      %dma_start3A_117 = arith.constant 0 : i32
      %dma_start3A_118 = tpu.memref_slice %arg6[%dma_start3A_117] : memref<704xi32, #tpu.memory_space<vmem>> -> memref<704xi32, #tpu.memory_space<vmem>>
      %dma_start3A_119 = tpu.memref_slice %arg2[%add3A_114] : memref<16384xi32, #tpu.memory_space<hbm>> -> memref<704xi32, #tpu.memory_space<hbm>>
      tpu.enqueue_dma source(%dma_start3A_119 : memref<704xi32, #tpu.memory_space<hbm>>) target(%dma_start3A_118 : memref<704xi32, #tpu.memory_space<vmem>>) target_semaphore(%arg10 : memref<!tpu.dma_semaphore, #tpu.memory_space<semaphore_mem>>)
      %dma_start3A_120 = arith.constant 0 : i32
      %dma_start3A_121 = tpu.memref_slice %arg7[%dma_start3A_120] : memref<704xi32, #tpu.memory_space<vmem>> -> memref<704xi32, #tpu.memory_space<vmem>>
      %dma_start3A_122 = tpu.memref_slice %arg3[%add3A_114] : memref<16384xi32, #tpu.memory_space<hbm>> -> memref<704xi32, #tpu.memory_space<hbm>>
      %dma_start3A_123 = arith.constant 0 : i32
      %dma_start3A_124 = tpu.memref_slice %arg7[%dma_start3A_123] : memref<704xi32, #tpu.memory_space<vmem>> -> memref<704xi32, #tpu.memory_space<vmem>>
      %dma_start3A_125 = tpu.memref_slice %arg3[%add3A_114] : memref<16384xi32, #tpu.memory_space<hbm>> -> memref<704xi32, #tpu.memory_space<hbm>>
      tpu.enqueue_dma source(%dma_start3A_125 : memref<704xi32, #tpu.memory_space<hbm>>) target(%dma_start3A_124 : memref<704xi32, #tpu.memory_space<vmem>>) target_semaphore(%arg10 : memref<!tpu.dma_semaphore, #tpu.memory_space<semaphore_mem>>)
      %dma_wait3A = arith.constant 0 : i32
      %dma_wait3A_126 = tpu.memref_slice %arg6[%dma_wait3A] : memref<704xi32, #tpu.memory_space<vmem>> -> memref<704xi32, #tpu.memory_space<vmem>>
      %dma_wait3A_127 = tpu.memref_slice %arg2[%add3A_114] : memref<16384xi32, #tpu.memory_space<hbm>> -> memref<704xi32, #tpu.memory_space<hbm>>
      %dma_wait3A_128 = arith.constant 0 : i32
      %dma_wait3A_129 = tpu.memref_slice %arg6[%dma_wait3A_128] : memref<704xi32, #tpu.memory_space<vmem>> -> memref<704xi32, #tpu.memory_space<vmem>>
      %dma_wait3A_130 = tpu.memref_slice %arg2[%add3A_114] : memref<16384xi32, #tpu.memory_space<hbm>> -> memref<704xi32, #tpu.memory_space<hbm>>
      tpu.wait_dma2 semaphore(%arg10 : memref<!tpu.dma_semaphore, #tpu.memory_space<semaphore_mem>>) src(%dma_wait3A_130 : memref<704xi32, #tpu.memory_space<hbm>>) dst(%dma_wait3A_129 : memref<704xi32, #tpu.memory_space<vmem>>)
      %dma_wait3A_131 = arith.constant 0 : i32
      %dma_wait3A_132 = tpu.memref_slice %arg7[%dma_wait3A_131] : memref<704xi32, #tpu.memory_space<vmem>> -> memref<704xi32, #tpu.memory_space<vmem>>
      %dma_wait3A_133 = tpu.memref_slice %arg3[%add3A_114] : memref<16384xi32, #tpu.memory_space<hbm>> -> memref<704xi32, #tpu.memory_space<hbm>>
      %dma_wait3A_134 = arith.constant 0 : i32
      %dma_wait3A_135 = tpu.memref_slice %arg7[%dma_wait3A_134] : memref<704xi32, #tpu.memory_space<vmem>> -> memref<704xi32, #tpu.memory_space<vmem>>
      %dma_wait3A_136 = tpu.memref_slice %arg3[%add3A_114] : memref<16384xi32, #tpu.memory_space<hbm>> -> memref<704xi32, #tpu.memory_space<hbm>>
      tpu.wait_dma2 semaphore(%arg10 : memref<!tpu.dma_semaphore, #tpu.memory_space<semaphore_mem>>) src(%dma_wait3A_136 : memref<704xi32, #tpu.memory_space<hbm>>) dst(%dma_wait3A_135 : memref<704xi32, #tpu.memory_space<vmem>>)
      tpu.wait_dma2 semaphore(%arg10 : memref<!tpu.dma_semaphore, #tpu.memory_space<semaphore_mem>>) src(%arg4 : memref<220xf32, #tpu.memory_space<hbm>>) dst(%arg8 : memref<220xf32, #tpu.memory_space<vmem>>)
      %scan3A = arith.constant 0 : i32
      %scan3A_137 = arith.constant 8 : i32
      %scan3A_138 = arith.addi %scan3A, %scan3A_137 : i32
      %scan3A_139 = arith.constant 1 : i32
      scf.for %scan3A_237 = %scan3A to %scan3A_138 step %scan3A_139  : i32 {
        %mul3A_238 = arith.constant 22 : i32
        %mul3A_239 = arith.muli %scan3A_237, %mul3A_238 : i32
        %add3A_240 = arith.constant 22 : i32
        %add3A_241 = arith.addi %mul3A_239, %add3A_240 : i32
        %parallel_loop3A = arith.constant 1 : i32
        scf.for %parallel_loop3A_255 = %mul3A_239 to %add3A_241 step %parallel_loop3A  : i32 {
          %parallel_loop3A_256 = arith.constant 4 : i32
          %parallel_loop3A_257 = arith.muli %parallel_loop3A_255, %parallel_loop3A_256 : i32
          %parallel_loop3A_258 = vector.broadcast %parallel_loop3A_257 : i32 to vector<16xi32>
          %parallel_loop3A_259 = arith.addi %select_n3A, %parallel_loop3A_258 : vector<16xi32>
          %parallel_loop3A_260 = tpu.vector_load_idx %arg6[%parallel_loop3A_259] : memref<704xi32, #tpu.memory_space<vmem>>[vector<16xi32>], vector<16xi32>,
          %parallel_loop3A_261 = tpu.vector_load_idx %arg7[%parallel_loop3A_259] : memref<704xi32, #tpu.memory_space<vmem>>[vector<16xi32>], vector<16xi32>,
          %parallel_loop3A_262 = arith.constant 8 : i32
          %parallel_loop3A_263 = vector.broadcast %parallel_loop3A_262 : i32 to vector<16xi32>
          %parallel_loop3A_264 = arith.cmpi slt, %sub3A_27, %parallel_loop3A_263 : vector<16xi32>
          %parallel_loop3A_265 = arith.constant 8 : i32
          %parallel_loop3A_266 = vector.broadcast %parallel_loop3A_265 : i32 to vector<16xi32>
          %parallel_loop3A_267 = arith.muli %parallel_loop3A_260, %parallel_loop3A_266 : vector<16xi32>
          %parallel_loop3A_268 = arith.addi %parallel_loop3A_267, %sub3A_27 : vector<16xi32>
          %parallel_loop3A_269 = arith.constant 4 : i32
          %parallel_loop3A_270 = vector.broadcast %parallel_loop3A_269 : i32 to vector<16xi32>
          %parallel_loop3A_271 = arith.muli %parallel_loop3A_261, %parallel_loop3A_270 : vector<16xi32>
          %parallel_loop3A_272 = arith.addi %parallel_loop3A_271, %sub3A_27 : vector<16xi32>
          %parallel_loop3A_273 = arith.constant 184 : i32
          %parallel_loop3A_274 = vector.broadcast %parallel_loop3A_273 : i32 to vector<16xi32>
          %parallel_loop3A_275 = arith.addi %parallel_loop3A_272, %parallel_loop3A_274 : vector<16xi32>
          %parallel_loop3A_276 = arith.select %parallel_loop3A_264, %parallel_loop3A_268, %parallel_loop3A_275 : vector<16xi1>, vector<16xi32>
          %parallel_loop3A_277 = tpu.vector_load_idx %arg8[%parallel_loop3A_276] : memref<220xf32, #tpu.memory_space<vmem>>[vector<16xi32>], vector<16xf32>,
          tpu.vector_store_idx %arg9[%parallel_loop3A_259, %sub3A_27], %parallel_loop3A_277 : memref<704x12xf32, #tpu.memory_space<vmem>>[vector<16xi32>, vector<16xi32>], vector<16xf32>,
          %parallel_loop3A_278 = vector.broadcast %parallel_loop3A_257 : i32 to vector<16xi32>
          %parallel_loop3A_279 = arith.addi %select_n3A_61, %parallel_loop3A_278 : vector<16xi32>
          %parallel_loop3A_280 = tpu.vector_load_idx %arg6[%parallel_loop3A_279] : memref<704xi32, #tpu.memory_space<vmem>>[vector<16xi32>], vector<16xi32>,
          %parallel_loop3A_281 = tpu.vector_load_idx %arg7[%parallel_loop3A_279] : memref<704xi32, #tpu.memory_space<vmem>>[vector<16xi32>], vector<16xi32>,
          %parallel_loop3A_282 = arith.constant 8 : i32
          %parallel_loop3A_283 = vector.broadcast %parallel_loop3A_282 : i32 to vector<16xi32>
          %parallel_loop3A_284 = arith.cmpi slt, %sub3A_65, %parallel_loop3A_283 : vector<16xi32>
          %parallel_loop3A_285 = arith.constant 8 : i32
          %parallel_loop3A_286 = vector.broadcast %parallel_loop3A_285 : i32 to vector<16xi32>
          %parallel_loop3A_287 = arith.muli %parallel_loop3A_280, %parallel_loop3A_286 : vector<16xi32>
          %parallel_loop3A_288 = arith.addi %parallel_loop3A_287, %sub3A_65 : vector<16xi32>
          %parallel_loop3A_289 = arith.constant 4 : i32
          %parallel_loop3A_290 = vector.broadcast %parallel_loop3A_289 : i32 to vector<16xi32>
          %parallel_loop3A_291 = arith.muli %parallel_loop3A_281, %parallel_loop3A_290 : vector<16xi32>
          %parallel_loop3A_292 = arith.addi %parallel_loop3A_291, %sub3A_65 : vector<16xi32>
          %parallel_loop3A_293 = arith.constant 184 : i32
          %parallel_loop3A_294 = vector.broadcast %parallel_loop3A_293 : i32 to vector<16xi32>
          %parallel_loop3A_295 = arith.addi %parallel_loop3A_292, %parallel_loop3A_294 : vector<16xi32>
          %parallel_loop3A_296 = arith.select %parallel_loop3A_284, %parallel_loop3A_288, %parallel_loop3A_295 : vector<16xi1>, vector<16xi32>
          %parallel_loop3A_297 = tpu.vector_load_idx %arg8[%parallel_loop3A_296] : memref<220xf32, #tpu.memory_space<vmem>>[vector<16xi32>], vector<16xf32>,
          tpu.vector_store_idx %arg9[%parallel_loop3A_279, %sub3A_65], %parallel_loop3A_297 : memref<704x12xf32, #tpu.memory_space<vmem>>[vector<16xi32>, vector<16xi32>], vector<16xf32>,
          %parallel_loop3A_298 = vector.broadcast %parallel_loop3A_257 : i32 to vector<16xi32>
          %parallel_loop3A_299 = arith.addi %select_n3A_99, %parallel_loop3A_298 : vector<16xi32>
          %parallel_loop3A_300 = tpu.vector_load_idx %arg6[%parallel_loop3A_299] : memref<704xi32, #tpu.memory_space<vmem>>[vector<16xi32>], vector<16xi32>,
          %parallel_loop3A_301 = tpu.vector_load_idx %arg7[%parallel_loop3A_299] : memref<704xi32, #tpu.memory_space<vmem>>[vector<16xi32>], vector<16xi32>,
          %parallel_loop3A_302 = arith.constant 8 : i32
          %parallel_loop3A_303 = vector.broadcast %parallel_loop3A_302 : i32 to vector<16xi32>
          %parallel_loop3A_304 = arith.cmpi slt, %sub3A_103, %parallel_loop3A_303 : vector<16xi32>
          %parallel_loop3A_305 = arith.constant 8 : i32
          %parallel_loop3A_306 = vector.broadcast %parallel_loop3A_305 : i32 to vector<16xi32>
          %parallel_loop3A_307 = arith.muli %parallel_loop3A_300, %parallel_loop3A_306 : vector<16xi32>
          %parallel_loop3A_308 = arith.addi %parallel_loop3A_307, %sub3A_103 : vector<16xi32>
          %parallel_loop3A_309 = arith.constant 4 : i32
          %parallel_loop3A_310 = vector.broadcast %parallel_loop3A_309 : i32 to vector<16xi32>
          %parallel_loop3A_311 = arith.muli %parallel_loop3A_301, %parallel_loop3A_310 : vector<16xi32>
          %parallel_loop3A_312 = arith.addi %parallel_loop3A_311, %sub3A_103 : vector<16xi32>
          %parallel_loop3A_313 = arith.constant 184 : i32
          %parallel_loop3A_314 = vector.broadcast %parallel_loop3A_313 : i32 to vector<16xi32>
          %parallel_loop3A_315 = arith.addi %parallel_loop3A_312, %parallel_loop3A_314 : vector<16xi32>
          %parallel_loop3A_316 = arith.select %parallel_loop3A_304, %parallel_loop3A_308, %parallel_loop3A_315 : vector<16xi1>, vector<16xi32>
          %parallel_loop3A_317 = tpu.vector_load_idx %arg8[%parallel_loop3A_316] : memref<220xf32, #tpu.memory_space<vmem>>[vector<16xi32>], vector<16xf32>,
          tpu.vector_store_idx %arg9[%parallel_loop3A_299, %sub3A_103], %parallel_loop3A_317 : memref<704x12xf32, #tpu.memory_space<vmem>>[vector<16xi32>, vector<16xi32>], vector<16xf32>,
        } {sc.loop_unroll_factor = 8 : i64, sc.parallel_access}
        %mul3A_242 = arith.constant 88 : i32
        %mul3A_243 = arith.muli %scan3A_237, %mul3A_242 : i32
        %mul3A_244 = arith.constant 88 : i32
        %mul3A_245 = arith.muli %scan3A_237, %mul3A_244 : i32
        %add3A_246 = arith.addi %add3A_114, %mul3A_245 : i32
        %dma_start3A_247 = arith.constant 0 : i32
        %dma_start3A_248 = tpu.memref_slice %arg9[%mul3A_243, %dma_start3A_247] : memref<704x12xf32, #tpu.memory_space<vmem>> -> memref<88x12xf32, #tpu.memory_space<vmem>>
        %dma_start3A_249 = arith.constant 0 : i32
        %dma_start3A_250 = tpu.memref_slice %arg5[%add3A_246, %dma_start3A_249] : memref<16384x12xf32, #tpu.memory_space<hbm>> -> memref<88x12xf32, #tpu.memory_space<hbm>>
        %dma_start3A_251 = arith.constant 0 : i32
        %dma_start3A_252 = tpu.memref_slice %arg5[%add3A_246, %dma_start3A_251] : memref<16384x12xf32, #tpu.memory_space<hbm>> -> memref<88x12xf32, #tpu.memory_space<hbm>>
        %dma_start3A_253 = arith.constant 0 : i32
        %dma_start3A_254 = tpu.memref_slice %arg9[%mul3A_243, %dma_start3A_253] : memref<704x12xf32, #tpu.memory_space<vmem>> -> memref<88x12xf32, #tpu.memory_space<vmem>>
        tpu.enqueue_dma source(%dma_start3A_254 : memref<88x12xf32, #tpu.memory_space<vmem>>) target(%dma_start3A_252 : memref<88x12xf32, #tpu.memory_space<hbm>>) target_semaphore(%arg11 : memref<!tpu.dma_semaphore, #tpu.memory_space<semaphore_mem>>)
      }
      %scan3A_140 = arith.constant 8 : i32
      %add3A_141 = arith.constant 0 : i32
      %add3A_142 = arith.addi %add3A_114, %add3A_141 : i32
      %dma_wait3A_143 = arith.constant 0 : i32
      %dma_wait3A_144 = arith.constant 0 : i32
      %dma_wait3A_145 = tpu.memref_slice %arg9[%dma_wait3A_143, %dma_wait3A_144] : memref<704x12xf32, #tpu.memory_space<vmem>> -> memref<88x12xf32, #tpu.memory_space<vmem>>
      %dma_wait3A_146 = arith.constant 0 : i32
      %dma_wait3A_147 = tpu.memref_slice %arg5[%add3A_142, %dma_wait3A_146] : memref<16384x12xf32, #tpu.memory_space<hbm>> -> memref<88x12xf32, #tpu.memory_space<hbm>>
      %dma_wait3A_148 = arith.constant 0 : i32
      %dma_wait3A_149 = tpu.memref_slice %arg5[%add3A_142, %dma_wait3A_148] : memref<16384x12xf32, #tpu.memory_space<hbm>> -> memref<88x12xf32, #tpu.memory_space<hbm>>
      %dma_wait3A_150 = arith.constant 0 : i32
      %dma_wait3A_151 = arith.constant 0 : i32
      %dma_wait3A_152 = tpu.memref_slice %arg9[%dma_wait3A_150, %dma_wait3A_151] : memref<704x12xf32, #tpu.memory_space<vmem>> -> memref<88x12xf32, #tpu.memory_space<vmem>>
      tpu.wait_dma2 semaphore(%arg11 : memref<!tpu.dma_semaphore, #tpu.memory_space<semaphore_mem>>) src(%dma_wait3A_152 : memref<88x12xf32, #tpu.memory_space<vmem>>) dst(%dma_wait3A_149 : memref<88x12xf32, #tpu.memory_space<hbm>>)
      %add3A_153 = arith.constant 88 : i32
      %add3A_154 = arith.addi %add3A_114, %add3A_153 : i32
      %dma_wait3A_155 = arith.constant 88 : i32
      %dma_wait3A_156 = arith.constant 0 : i32
      %dma_wait3A_157 = tpu.memref_slice %arg9[%dma_wait3A_155, %dma_wait3A_156] : memref<704x12xf32, #tpu.memory_space<vmem>> -> memref<88x12xf32, #tpu.memory_space<vmem>>
      %dma_wait3A_158 = arith.constant 0 : i32
      %dma_wait3A_159 = tpu.memref_slice %arg5[%add3A_154, %dma_wait3A_158] : memref<16384x12xf32, #tpu.memory_space<hbm>> -> memref<88x12xf32, #tpu.memory_space<hbm>>
      %dma_wait3A_160 = arith.constant 0 : i32
      %dma_wait3A_161 = tpu.memref_slice %arg5[%add3A_154, %dma_wait3A_160] : memref<16384x12xf32, #tpu.memory_space<hbm>> -> memref<88x12xf32, #tpu.memory_space<hbm>>
      %dma_wait3A_162 = arith.constant 88 : i32
      %dma_wait3A_163 = arith.constant 0 : i32
      %dma_wait3A_164 = tpu.memref_slice %arg9[%dma_wait3A_162, %dma_wait3A_163] : memref<704x12xf32, #tpu.memory_space<vmem>> -> memref<88x12xf32, #tpu.memory_space<vmem>>
      tpu.wait_dma2 semaphore(%arg11 : memref<!tpu.dma_semaphore, #tpu.memory_space<semaphore_mem>>) src(%dma_wait3A_164 : memref<88x12xf32, #tpu.memory_space<vmem>>) dst(%dma_wait3A_161 : memref<88x12xf32, #tpu.memory_space<hbm>>)
      %add3A_165 = arith.constant 176 : i32
      %add3A_166 = arith.addi %add3A_114, %add3A_165 : i32
      %dma_wait3A_167 = arith.constant 176 : i32
      %dma_wait3A_168 = arith.constant 0 : i32
      %dma_wait3A_169 = tpu.memref_slice %arg9[%dma_wait3A_167, %dma_wait3A_168] : memref<704x12xf32, #tpu.memory_space<vmem>> -> memref<88x12xf32, #tpu.memory_space<vmem>>
      %dma_wait3A_170 = arith.constant 0 : i32
      %dma_wait3A_171 = tpu.memref_slice %arg5[%add3A_166, %dma_wait3A_170] : memref<16384x12xf32, #tpu.memory_space<hbm>> -> memref<88x12xf32, #tpu.memory_space<hbm>>
      %dma_wait3A_172 = arith.constant 0 : i32
      %dma_wait3A_173 = tpu.memref_slice %arg5[%add3A_166, %dma_wait3A_172] : memref<16384x12xf32, #tpu.memory_space<hbm>> -> memref<88x12xf32, #tpu.memory_space<hbm>>
      %dma_wait3A_174 = arith.constant 176 : i32
      %dma_wait3A_175 = arith.constant 0 : i32
      %dma_wait3A_176 = tpu.memref_slice %arg9[%dma_wait3A_174, %dma_wait3A_175] : memref<704x12xf32, #tpu.memory_space<vmem>> -> memref<88x12xf32, #tpu.memory_space<vmem>>
      tpu.wait_dma2 semaphore(%arg11 : memref<!tpu.dma_semaphore, #tpu.memory_space<semaphore_mem>>) src(%dma_wait3A_176 : memref<88x12xf32, #tpu.memory_space<vmem>>) dst(%dma_wait3A_173 : memref<88x12xf32, #tpu.memory_space<hbm>>)
      %add3A_177 = arith.constant 264 : i32
      %add3A_178 = arith.addi %add3A_114, %add3A_177 : i32
      %dma_wait3A_179 = arith.constant 264 : i32
      %dma_wait3A_180 = arith.constant 0 : i32
      %dma_wait3A_181 = tpu.memref_slice %arg9[%dma_wait3A_179, %dma_wait3A_180] : memref<704x12xf32, #tpu.memory_space<vmem>> -> memref<88x12xf32, #tpu.memory_space<vmem>>
      %dma_wait3A_182 = arith.constant 0 : i32
      %dma_wait3A_183 = tpu.memref_slice %arg5[%add3A_178, %dma_wait3A_182] : memref<16384x12xf32, #tpu.memory_space<hbm>> -> memref<88x12xf32, #tpu.memory_space<hbm>>
      %dma_wait3A_184 = arith.constant 0 : i32
      %dma_wait3A_185 = tpu.memref_slice %arg5[%add3A_178, %dma_wait3A_184] : memref<16384x12xf32, #tpu.memory_space<hbm>> -> memref<88x12xf32, #tpu.memory_space<hbm>>
      %dma_wait3A_186 = arith.constant 264 : i32
      %dma_wait3A_187 = arith.constant 0 : i32
      %dma_wait3A_188 = tpu.memref_slice %arg9[%dma_wait3A_186, %dma_wait3A_187] : memref<704x12xf32, #tpu.memory_space<vmem>> -> memref<88x12xf32, #tpu.memory_space<vmem>>
      tpu.wait_dma2 semaphore(%arg11 : memref<!tpu.dma_semaphore, #tpu.memory_space<semaphore_mem>>) src(%dma_wait3A_188 : memref<88x12xf32, #tpu.memory_space<vmem>>) dst(%dma_wait3A_185 : memref<88x12xf32, #tpu.memory_space<hbm>>)
      %add3A_189 = arith.constant 352 : i32
      %add3A_190 = arith.addi %add3A_114, %add3A_189 : i32
      %dma_wait3A_191 = arith.constant 352 : i32
      %dma_wait3A_192 = arith.constant 0 : i32
      %dma_wait3A_193 = tpu.memref_slice %arg9[%dma_wait3A_191, %dma_wait3A_192] : memref<704x12xf32, #tpu.memory_space<vmem>> -> memref<88x12xf32, #tpu.memory_space<vmem>>
      %dma_wait3A_194 = arith.constant 0 : i32
      %dma_wait3A_195 = tpu.memref_slice %arg5[%add3A_190, %dma_wait3A_194] : memref<16384x12xf32, #tpu.memory_space<hbm>> -> memref<88x12xf32, #tpu.memory_space<hbm>>
      %dma_wait3A_196 = arith.constant 0 : i32
      %dma_wait3A_197 = tpu.memref_slice %arg5[%add3A_190, %dma_wait3A_196] : memref<16384x12xf32, #tpu.memory_space<hbm>> -> memref<88x12xf32, #tpu.memory_space<hbm>>
      %dma_wait3A_198 = arith.constant 352 : i32
      %dma_wait3A_199 = arith.constant 0 : i32
      %dma_wait3A_200 = tpu.memref_slice %arg9[%dma_wait3A_198, %dma_wait3A_199] : memref<704x12xf32, #tpu.memory_space<vmem>> -> memref<88x12xf32, #tpu.memory_space<vmem>>
      tpu.wait_dma2 semaphore(%arg11 : memref<!tpu.dma_semaphore, #tpu.memory_space<semaphore_mem>>) src(%dma_wait3A_200 : memref<88x12xf32, #tpu.memory_space<vmem>>) dst(%dma_wait3A_197 : memref<88x12xf32, #tpu.memory_space<hbm>>)
      %add3A_201 = arith.constant 440 : i32
      %add3A_202 = arith.addi %add3A_114, %add3A_201 : i32
      %dma_wait3A_203 = arith.constant 440 : i32
      %dma_wait3A_204 = arith.constant 0 : i32
      %dma_wait3A_205 = tpu.memref_slice %arg9[%dma_wait3A_203, %dma_wait3A_204] : memref<704x12xf32, #tpu.memory_space<vmem>> -> memref<88x12xf32, #tpu.memory_space<vmem>>
      %dma_wait3A_206 = arith.constant 0 : i32
      %dma_wait3A_207 = tpu.memref_slice %arg5[%add3A_202, %dma_wait3A_206] : memref<16384x12xf32, #tpu.memory_space<hbm>> -> memref<88x12xf32, #tpu.memory_space<hbm>>
      %dma_wait3A_208 = arith.constant 0 : i32
      %dma_wait3A_209 = tpu.memref_slice %arg5[%add3A_202, %dma_wait3A_208] : memref<16384x12xf32, #tpu.memory_space<hbm>> -> memref<88x12xf32, #tpu.memory_space<hbm>>
      %dma_wait3A_210 = arith.constant 440 : i32
      %dma_wait3A_211 = arith.constant 0 : i32
      %dma_wait3A_212 = tpu.memref_slice %arg9[%dma_wait3A_210, %dma_wait3A_211] : memref<704x12xf32, #tpu.memory_space<vmem>> -> memref<88x12xf32, #tpu.memory_space<vmem>>
      tpu.wait_dma2 semaphore(%arg11 : memref<!tpu.dma_semaphore, #tpu.memory_space<semaphore_mem>>) src(%dma_wait3A_212 : memref<88x12xf32, #tpu.memory_space<vmem>>) dst(%dma_wait3A_209 : memref<88x12xf32, #tpu.memory_space<hbm>>)
      %add3A_213 = arith.constant 528 : i32
      %add3A_214 = arith.addi %add3A_114, %add3A_213 : i32
      %dma_wait3A_215 = arith.constant 528 : i32
      %dma_wait3A_216 = arith.constant 0 : i32
      %dma_wait3A_217 = tpu.memref_slice %arg9[%dma_wait3A_215, %dma_wait3A_216] : memref<704x12xf32, #tpu.memory_space<vmem>> -> memref<88x12xf32, #tpu.memory_space<vmem>>
      %dma_wait3A_218 = arith.constant 0 : i32
      %dma_wait3A_219 = tpu.memref_slice %arg5[%add3A_214, %dma_wait3A_218] : memref<16384x12xf32, #tpu.memory_space<hbm>> -> memref<88x12xf32, #tpu.memory_space<hbm>>
      %dma_wait3A_220 = arith.constant 0 : i32
      %dma_wait3A_221 = tpu.memref_slice %arg5[%add3A_214, %dma_wait3A_220] : memref<16384x12xf32, #tpu.memory_space<hbm>> -> memref<88x12xf32, #tpu.memory_space<hbm>>
      %dma_wait3A_222 = arith.constant 528 : i32
      %dma_wait3A_223 = arith.constant 0 : i32
      %dma_wait3A_224 = tpu.memref_slice %arg9[%dma_wait3A_222, %dma_wait3A_223] : memref<704x12xf32, #tpu.memory_space<vmem>> -> memref<88x12xf32, #tpu.memory_space<vmem>>
      tpu.wait_dma2 semaphore(%arg11 : memref<!tpu.dma_semaphore, #tpu.memory_space<semaphore_mem>>) src(%dma_wait3A_224 : memref<88x12xf32, #tpu.memory_space<vmem>>) dst(%dma_wait3A_221 : memref<88x12xf32, #tpu.memory_space<hbm>>)
      %add3A_225 = arith.constant 616 : i32
      %add3A_226 = arith.addi %add3A_114, %add3A_225 : i32
      %dma_wait3A_227 = arith.constant 616 : i32
      %dma_wait3A_228 = arith.constant 0 : i32
      %dma_wait3A_229 = tpu.memref_slice %arg9[%dma_wait3A_227, %dma_wait3A_228] : memref<704x12xf32, #tpu.memory_space<vmem>> -> memref<88x12xf32, #tpu.memory_space<vmem>>
      %dma_wait3A_230 = arith.constant 0 : i32
      %dma_wait3A_231 = tpu.memref_slice %arg5[%add3A_226, %dma_wait3A_230] : memref<16384x12xf32, #tpu.memory_space<hbm>> -> memref<88x12xf32, #tpu.memory_space<hbm>>
      %dma_wait3A_232 = arith.constant 0 : i32
      %dma_wait3A_233 = tpu.memref_slice %arg5[%add3A_226, %dma_wait3A_232] : memref<16384x12xf32, #tpu.memory_space<hbm>> -> memref<88x12xf32, #tpu.memory_space<hbm>>
      %dma_wait3A_234 = arith.constant 616 : i32
      %dma_wait3A_235 = arith.constant 0 : i32
      %dma_wait3A_236 = tpu.memref_slice %arg9[%dma_wait3A_234, %dma_wait3A_235] : memref<704x12xf32, #tpu.memory_space<vmem>> -> memref<88x12xf32, #tpu.memory_space<vmem>>
      tpu.wait_dma2 semaphore(%arg11 : memref<!tpu.dma_semaphore, #tpu.memory_space<semaphore_mem>>) src(%dma_wait3A_236 : memref<88x12xf32, #tpu.memory_space<vmem>>) dst(%dma_wait3A_233 : memref<88x12xf32, #tpu.memory_space<hbm>>)
    } else {
    }
    return
  }
}

</mosaic_0001>

<sc_bundles>
// kernel: kernel.3.cloned.1.call-start
scs
__scs_entry_jumppad:
0x0: {  	(pc) =	sbr.rel $0x88, $3  }
0x1: {  	(tag) =	ssettag $0x0;
	lr =	simm.s32 $0x1  }
0x2: {  	[smem:$0x3F9D] =	sst lr;
	_ =	strace $0xD0000000  }
0x3: {  	_ = 	snop  }
0x4: {  	_ = 	snop  }
0x5: {  	_ = 	snop  }
0x6: {  	_ = 	snop  }
0x7: {  	_ = 	snop  }
__scs_overlays_trampoline_lowered:
0x8: {  	[smem:$0x3FAC] =	sst s0  }
0x9: {  	[smem:$0x3FAD] =	sst s1  }
0xa: {  	[smem:$0x3FAE] =	sst s2  }
0xb: {  	[smem:$0x3FAF] =	sst s3  }
0xc: {  	[smem:$0x3FB0] =	sst s4  }
0xd: {  	[smem:$0x3FB1] =	sst s5  }
0xe: {  	[smem:$0x3FB2] =	sst s6  }
0xf: {  	[smem:$0x3FB3] =	sst s7  }
0x10: {  	[smem:$0x3FB4] =	sst s8  }
0x11: {  	[smem:$0x3FB5] =	sst s9;
	s0 =	simm.s32 @!p0 $0x0  }
0x12: {  	s1 =	sld [smem:$0x3F9B];
	s0 =	simm.s32 @p0 $0x1  }
0x13: {  	[smem:$0x3FB6] =	sst s0;
	s0 =	simm.s32 @!p1 $0x0  }
0x14: {  	s2 =	sld [smem:$0x3F9A];
	s0 =	simm.s32 @p1 $0x1  }
0x15: {  	[smem:$0x3FB7] =	sst s0;
	s0 =	simm.s32 @!p2 $0x0  }
0x16: {  	s3 =	sld [smem:$0x3FDB];
	s0 =	simm.s32 @p2 $0x1  }
0x17: {  	s4 =	simm.s32 $0x1BF5;
	[smem:$0x3FB9] =	sst s0  }
0x18: {  	s0 =	sld [smem:$0x3F9C];
	_ =	swait.ge [sflag:s4], $0x0  }
0x19: {  	s7 =	sld [smem:$0x3F9D]  }
0x1a: {  	s8 =	sadd.s32 $0xFFFFE003, lr  }
0x1b: {  	s9 =	sadd.s32 $0xFFFFFEF7, lr;
	s5 =	simm.s32 $0xFFFFFFFF;
	p2 =	slt.u32 s8, $0xFFFFF086  }
0x1c: {  	p1 =	slt.u32 s9, $0xF7A;
	s5 =	simm.s32 @!p2 $0x0  }
0x1d: {  	s5 =	simm.s32 @p1 $0x1;
	p0 =	seq.s32 s7, s2  }
0x1e: {  	s7 =	smul.u32 @!p0 $0xF7A, s2;
	p2 =	seq.s32 @!p0 s5, $0x0  }
0x1f: {  	s9 =	smul.u32 $0xF7A, s1;
	s8 =	simm.s32 @!p0 $0x1BF5;
	p2 =	por !p2, p0  }
0x20: {  	[sflag:s8] =	ssyncset.s32 @!p0 $0xFFFFF086;
	s6 =	sadd.s32 @!p0 s3, s7;
	s7 =	simm.s32 @!p0 $0x108  }
0x21: {  	s3 =	sadd.s32 s3, s9;
	s6 =	sadd.s32 @!p0 $0x88, s6;
	s7 =	simm.s32 @p2 $0x1082  }
0x22: {  	[simem:s7], [sflag:s8] =	dma.local @!p0 [hbm:s6], $0xF7A  }
0x23: {  	s9 =	sor.u32 $0xD0000000, s2;
	s6 =	simm.s32 $0x108;
	_ =	swait.ge @!p0 [sflag:s8], $0x0  }
0x24: {  	s3 =	sadd.s32 $0x88, s3;
	s6 =	simm.s32 @!p1 $0x1082;
	[sflag:s4] =	ssyncset.s32 $0xFFFFF086  }
0x25: {  	[simem:s6], [sflag:s4] =	dma.local [hbm:s3], $0xF7A  }
0x26: {  	[smem:$0x3F9D] =	sst s1;
	(tag) =	ssettag s2;
	_ =	strace s9  }
0x27: {  	s1 =	sld [smem:$0x3FAD]  }
0x28: {  	s2 =	sld [smem:$0x3FAE]  }
0x29: {  	s4 =	sld [smem:$0x3FB0]  }
0x2a: {  	p0 =	seq.s32 s5, $0x0;
	s5 =	sld [smem:$0x3FB1]  }
0x2b: {  	s6 =	sld [smem:$0x3FB2]  }
0x2c: {  	s7 =	sld [smem:$0x3FB3]  }
0x2d: {  	s3 =	simm.s32 $0x108;
	s8 =	sld [smem:$0x3FB4]  }
0x2e: {  	s3 =	simm.s32 @!p0 $0x1082;
	s9 =	sld [smem:$0x3FB5]  }
0x2f: {  	lr =	sadd.s32 s0, s3;
	s0 =	sld [smem:$0x3FAC]  }
0x30: {  	s3 =	sld [smem:$0x3FAF]  }
0x31: {  	[smem:$0x3FB8] =	sst s10  }
0x32: {  	s10 =	sld [smem:$0x3FB6];
	_ =	sdelay $0x3  }
0x33: {  	p0 =	seq.s32 s10, $0x1;
	s10 =	sld [smem:$0x3FB8];
	_ =	sdelay $0x3  }
0x34: {  	[smem:$0x3FB8] =	sst s10  }
0x35: {  	s10 =	sld [smem:$0x3FB7];
	_ =	sdelay $0x3  }
0x36: {  	p1 =	seq.s32 s10, $0x1;
	s10 =	sld [smem:$0x3FB8];
	_ =	sdelay $0x3  }
0x37: {  	[smem:$0x3FB8] =	sst s10  }
0x38: {  	s10 =	sld [smem:$0x3FB9]  }
0x39: {  	_ = 	snop;
	(pc) =	sbr.ind lr, $3  }
0x3a: {  	_ = 	snop  }
0x3b: {  	_ = 	snop  }
0x3c: {  	p2 =	seq.s32 s10, $0x1;
	s10 =	sld [smem:$0x3FB8]  }
0x3d: {  	_ =	shalt  }
0x3e: {  	_ =	shalt  }
0x3f: {  	_ =	shalt  }
0x40: {  	_ =	shalt  }
0x41: {  	_ =	shalt  }
0x42: {  	_ =	shalt  }
0x43: {  	_ =	shalt  }
0x44: {  	_ =	shalt  }
0x45: {  	_ =	shalt  }
0x46: {  	_ =	shalt  }
0x47: {  	_ =	shalt  }
0x48: {  	_ =	shalt  }
0x49: {  	_ =	shalt  }
0x4a: {  	_ =	shalt  }
0x4b: {  	_ =	shalt  }
0x4c: {  	_ =	shalt  }
0x4d: {  	_ =	shalt  }
0x4e: {  	_ =	shalt  }
0x4f: {  	_ =	shalt  }
0x50: {  	_ =	shalt  }
0x51: {  	_ =	shalt  }
0x52: {  	_ =	shalt  }
0x53: {  	_ =	shalt  }
0x54: {  	_ =	shalt  }
0x55: {  	_ =	shalt  }
0x56: {  	_ =	shalt  }
0x57: {  	_ =	shalt  }
0x58: {  	_ =	shalt  }
0x59: {  	_ =	shalt  }
0x5a: {  	_ =	shalt  }
0x5b: {  	_ =	shalt  }
0x5c: {  	_ =	shalt  }
0x5d: {  	_ =	shalt  }
0x5e: {  	_ =	shalt  }
0x5f: {  	_ =	shalt  }
0x60: {  	_ =	shalt  }
0x61: {  	_ =	shalt  }
0x62: {  	_ =	shalt  }
0x63: {  	_ =	shalt  }
0x64: {  	_ =	shalt  }
0x65: {  	_ =	shalt  }
0x66: {  	_ =	shalt  }
0x67: {  	_ =	shalt  }
0x68: {  	_ =	shalt  }
0x69: {  	_ =	shalt  }
0x6a: {  	_ =	shalt  }
0x6b: {  	_ =	shalt  }
0x6c: {  	_ =	shalt  }
0x6d: {  	_ =	shalt  }
0x6e: {  	_ =	shalt  }
0x6f: {  	_ =	shalt  }
0x70: {  	_ =	shalt  }
0x71: {  	_ =	shalt  }
0x72: {  	_ =	shalt  }
0x73: {  	_ =	shalt  }
0x74: {  	_ =	shalt  }
0x75: {  	_ =	shalt  }
0x76: {  	_ =	shalt  }
0x77: {  	_ =	shalt  }
0x78: {  	_ =	shalt  }
0x79: {  	_ =	shalt  }
0x7a: {  	_ =	shalt  }
0x7b: {  	_ =	shalt  }
0x7c: {  	_ =	shalt  }
0x7d: {  	_ =	shalt  }
0x7e: {  	_ =	shalt  }
0x7f: {  	_ =	shalt  }
0x80: {  	_ =	shalt  }
0x81: {  	_ =	shalt  }
0x82: {  	_ =	shalt  }
0x83: {  	_ =	shalt  }
0x84: {  	_ =	shalt  }
0x85: {  	_ =	shalt  }
0x86: {  	_ =	shalt  }
0x87: {  	_ =	shalt  }
.Lfunc_end0:
.L_simem_size_0:
called_computation_lowered:
.L_overlay_start_0:
0x88: {  	s2 =	sld [smem:$0x3FD9]  }
0x89: {  	s3 =	sld [smem:$0x3FFE];
	_ =	sdelay $0x1  }
0x8a: {  	s1 =	srdreg.scid  }
0x8b: {  	s0 =	sand.u32 $0x1, s1  }
0x8c: {  	s17 =	sshll.u32 s0, $0xA;
	s2 =	sadd.s32 s3, s2  }
0x8d: {  	s2 =	sadd.s32 s2, s17  }
0x8e: {  	[smem:$0x3FC4] =	sst s2  }
0x8f: {  	_ = 	snop  }
0x90: {  	s2 =	sld [smem:$0x3FC9]  }
0x91: {  	s18 =	sld [smem:$0x3FC8]  }
0x92: {  	s4 =	sld [smem:$0x3FD0];
	(tm) =	ssettm $0x1  }
0x93: {  	s5 =	sld [smem:$0x3FFB];
	_ =	sdelay $0x3  }
0x94: {  	_ =	strace s5  }
0x95: {  	s5 =	sld [smem:$0x3FFC];
	_ =	sdelay $0x3  }
0x96: {  	_ =	strace s5  }
0x97: {  	s5 =	sld [smem:$0x3FFD];
	_ =	sdelay $0x3  }
0x98: {  	_ =	strace s5  }
0x99: {  	_ =	strace $0x8FFFFFFF  }
0x9a: {  	s19 =	sld [smem:$0x3FDB];
	_ =	sdelay $0x1  }
0x9b: {  	s6 =	simm.s32 $_scs_section_size  }
0x9c: {  	s7 =	simm.s32 $_size__tile_overlayer_lowered;
	s8 =	simm.s32 $_tile_overlayer_lowered  }
0x9d: {  	s22 =	simm.s32 $0x1BFF;
	s21 =	sshll.u32 s8, $0x1;
	s5 =	sadd.s32 s6, s19  }
0x9e: {  	s9 =	simm.s32 $0x0;
	s20 =	sshll.u32 s7, $0x1;
	s7 =	sadd.s32 s21, s5  }
0x9f: {  	[timem:s9], [sflag:s22] =	dma.local [hbm:s7], s20  }
0xa0: {  	_ =	swait.ge [sflag:s22], s20  }
0xa1: {  	s6 =	ssub.s32 $0x0, s20;
	[sflag:s22] =	ssyncset.done $0x0  }
0xa2: {  	[sflag:s22] =	ssyncadd.s32 s6;
	_ =	sdelay $0x1  }
0xa3: {  	s23 =	simm.s32 $0x1B8B  }
0xa4: {  	_ =	swait.ge [sflag:s23], $0x1  }
0xa5: {  	[sflag:s23] =	ssyncset.done $0x0  }
0xa6: {  	s25 =	simm.s32 $0x1B8E;
	s24 =	sld [smem:$0x3FFE];
	[sflag:s23] =	ssyncadd.s32 $0xFFFFFFFF  }
0xa7: {  	s26 =	simm.s32 $execute0_lowered;
	[smem:$0x3FD2] =	sst s25  }
0xa8: {  	s7 =	sshll.u32 s26, $0x1;
	_ =	strace $0x80000046;
	[dreg:$0x1] =	wrdreg $0xFFFFFFFF  }
0xa9: {  	s28 =	simm.s32 $_size_execute0_lowered;
	s5 =	sadd.s32 s5, s7;
	[dreg:$0x0] =	wrdreg $0x0  }
0xaa: {  	s7 =	sshll.u32 s28, $0x1;
	[dreg:$0x2] =	wrdreg s5  }
0xab: {  	[dreg:$0x3] =	wrdreg s7  }
0xac: {  	[dreg:$0x4] =	wrdreg $0xC0  }
0xad: {  	_ =	task [dreg:s9], $0x5FFFF  }
0xae: {  	[dreg:$0x1] =	wrdreg $0xFFFFFFFF  }
0xaf: {  	[dreg:$0x0] =	wrdreg $0x60  }
0xb0: {  	[dreg:$0x2] =	wrdreg s2  }
0xb1: {  	[dreg:$0x3] =	wrdreg s18  }
0xb2: {  	[dreg:$0x4] =	wrdreg s4  }
0xb3: {  	[dreg:$0x5] =	wrdreg s24  }
0xb4: {  	[dreg:$0x6] =	wrdreg $0x9  }
0xb5: {  	_ =	task.clear_ibuf [dreg:s9], $0x7FFFF;
	_ =	strace $0x90000046  }
0xb6: {  	s29 =	simm.s32 $0x9;
	_ =	strace $0x80000048  }
0xb7: {  	_ =	swait.ge [sflag:s29], $0x1  }
0xb8: {  	[sflag:s29] =	ssyncadd.s32 $0xFFFFFFFF  }
0xb9: {  	_ =	strace $0x90000048  }
0xba: {  	_ =	sfence  }
0xbb: {  	s30 =	sld [smem:$0x0];
	_ =	sdelay $0x2  }
0xbc: {  	s31 =	sshll.u32 s1, $0xD;
	s1 =	sshrl.u32 s1, $0x2  }
0xbd: {  	s3 =	sand.u32 $0x4000, s31;
	s1 =	sadd.s32 s1, s30  }
0xbe: {  	s0 =	sor.u32 s3, s0;
	s1 =	sshll.u32 s1, $0x11  }
0xbf: {  	s0 =	sor.u32 s1, s0  }
0xc0: {  	s0 =	sadd.s32 $0x8F2B, s0  }
0xc1: {  	[sflag:s0] =	ssyncadd.remote.s32 $0x1  }
0xc2: {  	_ =	sfence.sel $0xFFFF  }
0xc3: {  	[dreg:$0x0] =	wrdreg $0xFFFFFFFF;
	(pc) =	sbr.abs _section_cstart, $3  }
0xc4: {  	[dreg:$0x1] =	wrdreg $0xFFFFFFFF  }
0xc5: {  	_ =	task.clear_ibuf [dreg:s9], $0x2FFFF;
	_ =	strace $0x9FFFFFFF  }
0xc6: {  	(tm) =	ssettm $0x7FFFFFFF  }
0xc7: {  	_ =	shalt  }
tec
execute0_lowered:
.L_overlay_start_1:
0x0: {  	(tag) =	ssettag $0x1  }
0x1: {  	vm0 =	vcmask $0x2F00;
	v0 =	vimm.s32 $0x1  }
0x2: {  	vm1 =	vcmask $0x2F20;
	v1 =	vimm.s32 $0x3020100;
	v2 =	vimm.s32 $0xC3C2C1C0  }
0x3: {  	v3 =	vimm.s32 $0x76543210;
	vm2 =	vcmask $0x1F10;
	v6 =	vlaneseq.u32  }
0x4: {  	v11 =	vimm.s32 $0xBA987654;
	vm3 =	vcmask $0x2F10;
	v8 =	vsel vm0, $0x0, v0  }
0x5: {  	vm0 =	vcmask $0x1F30;
	v9 =	vunpack.c.0.s8.s32 v2;
	v2 =	vunpack.c.l.s4.s8 v3  }
0x6: {  	s1 =	rddreg [dreg:$0x0];
	v3 =	vimm.s32 $0x3210BA98;
	v0 =	vimm.s32 $0x3;
	v1 =	vunpack.c.0.s8.s32 v1  }
0x7: {  	s3 =	rddreg [dreg:$0x1];
	v6 =	vshrl.u32 v6, $0x3;
	v11 =	vunpack.c.l.s4.s8 v11;
	v3 =	vunpack.c.l.s4.s8 v3  }
0x8: {  	s0 =	rddreg [dreg:$0x2];
	v51 =	vsel vm1, $0x2, v0;
	v60 =	vadd.s32 $0x1, v6;
	v6 =	vimm.s32 $0x32107654  }
0x9: {  	s4 =	rddreg [dreg:$0x3];
	s5 =	srdreg.scid;
	s2 =	simm.s32 $0x0;
	vm1 =	vcmask $0xF20;
	v5 =	vand.u32 $0xFF, v9;
	v7 =	vunpack.c.0.s8.s32 v2  }
0xa: {  	s8 =	stileid.u32;
	s12 =	simm.s32 $0x600;
	s13 =	simm.s32 $0x300;
	v13 =	vunpack.c.l.s4.s8 v6;
	v10 =	vunpack.c.0.s8.s32 v3;
	v3 =	vimm.s32 $0x7654  }
0xb: {  	s14 =	simm.s32 $0x1;
	s15 =	simm.s32 $0x700;
	s16 =	simm.s32 $0x2;
	v11 =	vunpack.c.0.s8.s32 v11;
	v2 =	vsel vm2, v1, v5;
	v3 =	vunpack.c.l.s4.s8 v3  }
0xc: {  	s17 =	simm.s32 $0x0;
	s5 =	sand.u32 $0x1, s5;
	[smem:$0x7FF] =	sst s2;
	v57 =	vsel vm2, $0x2, v0;
	v52 =	vcombine.low v7, v2;
	v13 =	vunpack.c.0.s8.s32 v13  }
0xd: {  	s4 =	sadd.s32 $0x400, s4;
	s30 =	sshll.u32 s8, $0x7;
	s31 =	sshll.u32 s8, $0xA;
	v62 =	vand.u32 $0xF, v11;
	v4 =	vcombine.low v7, v10;
	v12 =	vunpack.c.0.s8.s32 v3  }
.Ltmp0:
0xe: {  	s8 =	sshll.u32 s8, $0xE;
	s6 =	ssub.s32 $0x2, s5;
	v11 =	vcombine.low v10, v11;
	v3 =	vcombine.low v62, v7;
	v63 =	vsel vm3, v13, v9;
	(pc) =	sbr.rel .LBB2_1-.Ltmp0, $4  }
0xf: {  	_ =	strace $0x80000047;
	p0 =	seq.s32 s5, $0x1;
	s7 =	sshrl.u32 s6, $0x1;
	v55 =	vand.u32 $0xF, v4;
	v12 =	vsel vm2, v5, v12;
	vm2 =	vcmask $0xF00  }
0x10: {  	s5 =	sadd.s32 s1, s30;
	s11 =	ssub.s32 s6, s7;
	s6 =	sor.u32 $0x140, s31;
	v11 =	vand.u32 $0xF, v11;
	v56 =	vsel vm2, $0x2, v0;
	vm2 =	vcmask $0x3F30  }
0x11: {  	s8 =	sadd.s32 s4, s8;
	[tilespmem:$0x1FFF0] =	vst v8;
	s7 =	sadd.s32 s3, s30;
	s10 =	sshrl.u32 s6, $0x3;
	v58 =	vcombine.low v12, v7;
	v10 =	vsel vm2, v9, v63;
	v9 =	vimm.s32 $0x2  }
0x12: {  	s11 =	smax.u32 s11, $0x1;
	s9 =	sadd.s32 s1, s10;
	s10 =	sadd.s32 s3, s10;
	[tilespmem:$0x1FFE0] =	vst v3;
	vm2 =	vcmask $0xF30;
	v62 =	vsel vm3, $0x3, v9;
	v61 =	vand.u32 $0xFF, v10  }
.LBB2_17:
0x13: {  	_ =	swait.ge [sflag:s16], $0x2C00  }
0x14: {  	[sflag:s16] =	ssyncset.done $0x0  }
0x15: {  	[sflag:s16] =	ssyncadd.s32 $0xFFFFD400  }
0x16: {  	_ =	swait.ge [sflag:s16], $0x2C00  }
0x17: {  	[sflag:s16] =	ssyncset.done $0x0  }
0x18: {  	[sflag:s16] =	ssyncadd.s32 $0xFFFFD400  }
0x19: {  	_ =	swait.ge [sflag:s16], $0x2C00  }
0x1a: {  	[sflag:s16] =	ssyncset.done $0x0  }
0x1b: {  	[sflag:s16] =	ssyncadd.s32 $0xFFFFD400  }
0x1c: {  	_ =	swait.ge [sflag:s16], $0x2C00  }
0x1d: {  	[sflag:s16] =	ssyncset.done $0x0  }
0x1e: {  	[sflag:s16] =	ssyncadd.s32 $0xFFFFD400  }
0x1f: {  	_ =	swait.ge [sflag:s16], $0x2C00  }
0x20: {  	[sflag:s16] =	ssyncset.done $0x0  }
0x21: {  	[sflag:s16] =	ssyncadd.s32 $0xFFFFD400  }
0x22: {  	_ =	swait.ge [sflag:s16], $0x2C00  }
0x23: {  	[sflag:s16] =	ssyncset.done $0x0  }
0x24: {  	[sflag:s16] =	ssyncadd.s32 $0xFFFFD400  }
0x25: {  	_ =	swait.ge [sflag:s16], $0x2C00  }
0x26: {  	[sflag:s16] =	ssyncset.done $0x0  }
0x27: {  	[sflag:s16] =	ssyncadd.s32 $0xFFFFD400  }
0x28: {  	_ =	swait.ge [sflag:s16], $0x2C00  }
0x29: {  	[sflag:s16] =	ssyncset.done $0x0  }
0x2a: {  	[sflag:s16] =	ssyncadd.s32 $0xFFFFD400  }
.LBB2_18:
0x2b: {  	s17 =	sadd.s32 $0x1, s17  }
0x2c: {  	p1 =	sne.s32 s17, s11  }
.Ltmp1:
0x2d: {  	_ = 	snop;
	(pc) =	sbr.rel @!p1 .LBB2_19-.Ltmp1, $1  }
0x2e: {  	_ =	sdelay $0x3  }
.LBB2_1:
.Ltmp2:
0x2f: {  	(pc) =	sbr.rel @!p0 .LBB2_2-.Ltmp2, $3  }
0x30: {  	_ =	sdelay $0x1  }
0x31: {  	[tilespmem:s12], [sflag:$0x1] =	stream.linear.gather [hbm4b:s0+s2], $0x100, $0x38;
	[tilespmem:$0x16700] =	vst v63  }
0x32: {  	s18 =	simm.s32 $0x0  }
0x33: {  	[tilespmem:s18], [sflag:$0x1] =	stream.linear.gather [hbm4b:s9+s18], $0x2C0, $0x38;
	[tilespmem:$0x16700] =	vst v63  }
0x34: {  	_ = 	snop  }
0x35: {  	[tilespmem:s13], [sflag:$0x1] =	stream.linear.gather [hbm4b:s10+s18], $0x2C0, $0x38;
	[tilespmem:$0x16700] =	vst v63  }
0x36: {  	_ =	swait.ge [sflag:s14], $0x2C0  }
0x37: {  	[sflag:s14] =	ssyncset.done $0x0  }
0x38: {  	[sflag:s14] =	ssyncadd.s32 $0xFFFFFD40  }
0x39: {  	_ =	swait.ge [sflag:s14], $0x2C0  }
0x3a: {  	[sflag:s14] =	ssyncset.done $0x0  }
0x3b: {  	[sflag:s14] =	ssyncadd.s32 $0xFFFFFD40  }
0x3c: {  	_ =	swait.ge [sflag:s14], $0x100  }
0x3d: {  	s19 =	simm.s32 $0x1C;
	[sflag:s14] =	ssyncset.done $0x0  }
0x3e: {  	s20 =	simm.s32 $0x40;
	s21 =	simm.s32 $0x0;
	[sflag:s14] =	ssyncadd.s32 $0xFFFFFF00  }
.LBB2_8:
0x3f: {  	s3 =	sadd.s32 $0xFFFFFFFC, s19  }
0x40: {  	v13 =	vor.u32 s3, v8  }
0x41: {  	s26 =	sadd.s32 $0xFFFFFFE4, s19  }
0x42: {  	v14 =	vor.u32 s26, v8  }
0x43: {  	s1 =	sadd.s32 $0xFFFFFFE8, s19  }
0x44: {  	v15 =	vor.u32 s1, v8  }
0x45: {  	s25 =	sadd.s32 $0xFFFFFFEC, s19;
	v17 =	vld.idx.msk [tilespmem:v13+s18+$0x0], $0xffff  }
0x46: {  	v18 =	vor.u32 s25, v8;
	v19 =	vld.idx.msk [tilespmem:v13+s13+$0x0], $0xffff  }
0x47: {  	s22 =	sadd.s32 $0xFFFFFFF0, s19;
	v20 =	vld.idx.msk [tilespmem:v14+s18+$0x0], $0xffff  }
0x48: {  	v21 =	vor.u32 s22, v8;
	v22 =	vld.idx.msk [tilespmem:v14+s13+$0x0], $0xffff  }
0x49: {  	v23 =	vld.idx.msk [tilespmem:v15+s18+$0x0], $0xffff  }
0x4a: {  	s23 =	sadd.s32 $0xFFFFFFF4, s19;
	v25 =	vld.idx.msk [tilespmem:v15+s13+$0x0], $0xffff  }
0x4b: {  	v24 =	vor.u32 s23, v8;
	v26 =	vld.idx.msk [tilespmem:v18+s18+$0x0], $0xffff  }
0x4c: {  	v28 =	vld.idx.msk [tilespmem:v18+s13+$0x0], $0xffff  }
0x4d: {  	v12 =	vor.u32 s19, v8;
	s24 =	sadd.s32 $0xFFFFFFF8, s19;
	v29 =	vld.idx.msk [tilespmem:v21+s13+$0x0], $0xffff  }
0x4e: {  	v27 =	vor.u32 s24, v8;
	v17 =	vsel vm0, v17, v19;
	v19 =	vld.idx.msk [tilespmem:v21+s18+$0x0], $0xffff  }
0x4f: {  	v17 =	vshll.u32 v17, v51  }
0x50: {  	v20 =	vsel vm0, v20, v22;
	v22 =	vld.idx.msk [tilespmem:v24+s18+$0x0], $0xffff;
	v17 =	vadd.s32 v52, v17  }
0x51: {  	v23 =	vsel vm0, v23, v25;
	v25 =	vld.idx.msk [tilespmem:v24+s13+$0x0], $0xffff;
	v20 =	vshll.u32 v20, v51  }
0x52: {  	v16 =	vld.idx.msk [tilespmem:v12+s13+$0x0], $0xffff;
	v26 =	vsel vm0, v26, v28;
	v23 =	vshll.u32 v23, v51;
	v20 =	vadd.s32 v52, v20  }
0x53: {  	v30 =	vld.idx.msk [tilespmem:v27+s18+$0x0], $0xffff;
	v26 =	vshll.u32 v26, v51;
	v23 =	vadd.s32 v52, v23;
	v19 =	vsel vm0, v19, v29  }
0x54: {  	v13 =	vshll.u32 v13, $0x7;
	v28 =	vld.idx.msk [tilespmem:v27+s13+$0x0], $0xffff;
	v26 =	vadd.s32 v52, v26;
	v19 =	vshll.u32 v19, v51  }
0x55: {  	v13 =	vor.u32 v55, v13;
	v17 =	vld.idx.msk [tilespmem:v17+s12+$0x0], $0xffff;
	v19 =	vadd.s32 v52, v19  }
0x56: {  	v31 =	vor.u32 s3, v60;
	v29 =	vld.idx.msk [tilespmem:v12+s18+$0x0], $0xffff;
	v22 =	vsel vm0, v22, v25  }
0x57: {  	v14 =	vshll.u32 v14, $0x7;
	v22 =	vshll.u32 v22, v51;
	v20 =	vld.idx.msk [tilespmem:v20+s12+$0x0], $0xffff  }
0x58: {  	v14 =	vor.u32 v55, v14;
	v23 =	vld.idx.msk [tilespmem:v23+s12+$0x0], $0xffff;
	v22 =	vadd.s32 v52, v22  }
0x59: {  	v15 =	vshll.u32 v15, $0x7;
	v25 =	vsel vm0, v30, v28;
	v28 =	vor.u32 s26, v60;
	v26 =	vld.idx.msk [tilespmem:v26+s12+$0x0], $0xffff  }
0x5a: {  	v18 =	vshll.u32 v18, $0x7;
	v15 =	vor.u32 v55, v15;
	[tilespmem:v13+s15+$0x0] =	vst.idx.msk $0xffff, v17;
	v19 =	vld.idx.msk [tilespmem:v19+s12+$0x0], $0xffff  }
0x5b: {  	v25 =	vshll.u32 v25, v51;
	v16 =	vsel vm0, v29, v16;
	v29 =	vor.u32 s1, v60;
	v17 =	vld.idx.msk [tilespmem:v31+s18+$0x0], $0xffff  }
0x5c: {  	v18 =	vor.u32 v55, v18;
	v13 =	vadd.s32 v52, v25;
	v25 =	vld.idx.msk [tilespmem:v31+s13+$0x0], $0xffff  }
0x5d: {  	v16 =	vshll.u32 v16, v51;
	[tilespmem:v14+s15+$0x0] =	vst.idx.msk $0xffff, v20;
	v14 =	vld.idx.msk [tilespmem:v22+s12+$0x0], $0xffff  }
0x5e: {  	v16 =	vadd.s32 v52, v16;
	v20 =	vld.idx.msk [tilespmem:v28+s18+$0x0], $0xffff  }
0x5f: {  	v21 =	vshll.u32 v21, $0x7;
	v22 =	vor.u32 s25, v60;
	[tilespmem:v15+s15+$0x0] =	vst.idx.msk $0xffff, v23;
	v30 =	vld.idx.msk [tilespmem:v28+s13+$0x0], $0xffff  }
0x60: {  	v21 =	vor.u32 v55, v21;
	v23 =	vld.idx.msk [tilespmem:v29+s18+$0x0], $0xffff  }
0x61: {  	v32 =	vor.u32 s22, v60;
	[tilespmem:v18+s15+$0x0] =	vst.idx.msk $0xffff, v26;
	v18 =	vld.idx.msk [tilespmem:v29+s13+$0x0], $0xffff;
	v15 =	vsel vm1, v17, v25  }
0x62: {  	v13 =	vld.idx.msk [tilespmem:v13+s12+$0x0], $0xffff;
	v17 =	vshll.u32 v24, $0x7;
	v15 =	vshll.u32 v15, v57  }
0x63: {  	v16 =	vld.idx.msk [tilespmem:v16+s12+$0x0], $0xffff;
	v17 =	vor.u32 v55, v17;
	v15 =	vadd.s32 v58, v15  }
0x64: {  	v26 =	vld.idx.msk [tilespmem:v22+s18+$0x0], $0xffff;
	v24 =	vshll.u32 v27, $0x7;
	v25 =	vor.u32 s23, v60  }
0x65: {  	[tilespmem:v21+s15+$0x0] =	vst.idx.msk $0xffff, v19;
	v19 =	vld.idx.msk [tilespmem:v22+s13+$0x0], $0xffff;
	v24 =	vor.u32 v55, v24  }
0x66: {  	v12 =	vshll.u32 v12, $0x7;
	v21 =	vor.u32 s24, v60;
	v27 =	vld.idx.msk [tilespmem:v32+s18+$0x0], $0xffff  }
0x67: {  	v12 =	vor.u32 v55, v12;
	v33 =	vld.idx.msk [tilespmem:v32+s13+$0x0], $0xffff  }
0x68: {  	[tilespmem:v17+s15+$0x0] =	vst.idx.msk $0xffff, v14;
	v14 =	vld.idx.msk [tilespmem:v15+s12+$0x0], $0xffff  }
0x69: {  	v34 =	vor.u32 s19, v60;
	v15 =	vshll.u32 v31, $0x7;
	v17 =	vld.idx.msk [tilespmem:v25+s18+$0x0], $0xffff  }
0x6a: {  	[tilespmem:v24+s15+$0x0] =	vst.idx.msk $0xffff, v13;
	v13 =	vsel vm1, v20, v30;
	v20 =	vld.idx.msk [tilespmem:v25+s13+$0x0], $0xffff;
	v15 =	vor.u32 v3, v15  }
0x6b: {  	v18 =	vsel vm1, v23, v18;
	v24 =	vor.u32 s3, v56;
	v23 =	vld.idx.msk [tilespmem:v21+s18+$0x0], $0xffff  }
0x6c: {  	[tilespmem:v12+s15+$0x0] =	vst.idx.msk $0xffff, v16;
	v13 =	vshll.u32 v13, v57;
	v16 =	vld.idx.msk [tilespmem:v21+s13+$0x0], $0xffff  }
0x6d: {  	v12 =	vadd.s32 v58, v13;
	v13 =	vshll.u32 v18, v57  }
0x6e: {  	v18 =	vsel vm1, v26, v19;
	v19 =	vld.idx.msk [tilespmem:v34+s18+$0x0], $0xffff;
	v26 =	vsel vm1, v27, v33;
	v13 =	vadd.s32 v58, v13  }
0x6f: {  	v18 =	vshll.u32 v18, v57;
	v17 =	vsel vm1, v17, v20;
	[tilespmem:v15+s15+$0x0] =	vst.idx.msk $0xffff, v14;
	v14 =	vld.idx.msk [tilespmem:v34+s13+$0x0], $0xffff  }
0x70: {  	v20 =	vshll.u32 v28, $0x7;
	v15 =	vadd.s32 v58, v18;
	v18 =	vshll.u32 v26, v57;
	v26 =	vld.idx.msk [tilespmem:v24+s18+$0x0], $0xffff  }
0x71: {  	v16 =	vsel vm1, v23, v16;
	v17 =	vshll.u32 v17, v57;
	v18 =	vadd.s32 v58, v18;
	v27 =	vld.idx.msk [tilespmem:v24+s13+$0x0], $0xffff  }
0x72: {  	v20 =	vor.u32 v3, v20;
	v12 =	vld.idx.msk [tilespmem:v12+s12+$0x0], $0xffff;
	v16 =	vshll.u32 v16, v57;
	v17 =	vadd.s32 v58, v17  }
0x73: {  	v28 =	vadd.s32 v58, v16  }
0x74: {  	v23 =	vor.u32 s26, v56;
	v13 =	vld.idx.msk [tilespmem:v13+s12+$0x0], $0xffff;
	v16 =	vshll.u32 v29, $0x7  }
0x75: {  	v14 =	vsel vm1, v19, v14;
	v15 =	vld.idx.msk [tilespmem:v15+s12+$0x0], $0xffff;
	v19 =	vor.u32 v3, v16  }
0x76: {  	v18 =	vld.idx.msk [tilespmem:v18+s12+$0x0], $0xffff;
	v16 =	vsel vm2, v27, v26;
	v26 =	vor.u32 s1, v56  }
0x77: {  	v21 =	vshll.u32 v21, $0x7;
	[tilespmem:v20+s15+$0x0] =	vst.idx.msk $0xffff, v12;
	v14 =	vshll.u32 v14, v57;
	v20 =	vld.idx.msk [tilespmem:v17+s12+$0x0], $0xffff  }
0x78: {  	v36 =	vor.u32 s24, v56;
	v21 =	vor.u32 v3, v21;
	v29 =	vld.idx.msk [tilespmem:v28+s12+$0x0], $0xffff;
	v14 =	vadd.s32 v58, v14  }
0x79: {  	v25 =	vshll.u32 v25, $0x7;
	v17 =	vshll.u32 v22, $0x7;
	v22 =	vld.idx.msk [tilespmem:v23+s18+$0x0], $0xffff;
	v12 =	vshll.u32 v16, v62  }
0x7a: {  	v30 =	vld.idx.msk [tilespmem:v23+s13+$0x0], $0xffff;
	v17 =	vor.u32 v3, v17;
	v12 =	vadd.s32 v61, v12;
	[tilespmem:v19+s15+$0x0] =	vst.idx.msk $0xffff, v13  }
0x7b: {  	v54 =	vor.u32 s19, v56;
	v28 =	vor.u32 s25, v56;
	v13 =	vor.u32 v3, v25;
	v25 =	vld.idx.msk [tilespmem:v26+s18+$0x0], $0xffff  }
0x7c: {  	v50 =	vor.u32 s23, v56;
	v41 =	vshll.u32 v54, $0x7;
	v27 =	vshll.u32 v32, $0x7;
	v35 =	vld.idx.msk [tilespmem:v26+s13+$0x0], $0xffff  }
0x7d: {  	v38 =	vshll.u32 v50, $0x7;
	v31 =	vshll.u32 v34, $0x7;
	v27 =	vor.u32 v3, v27;
	[tilespmem:v21+s15+$0x0] =	vst.idx.msk $0xffff, v29;
	v19 =	vld.idx.msk [tilespmem:v14+s12+$0x0], $0xffff  }
0x7e: {  	s31 =	smul.u32 $0x16, s21;
	v40 =	vshll.u32 v36, $0x7;
	v53 =	vor.u32 v11, v41;
	v49 =	vor.u32 v3, v31;
	v7 =	vld.idx.msk [tilespmem:v36+s13+$0x0], $0xffff  }
0x7f: {  	v31 =	vshll.u32 v28, $0x7;
	v14 =	vor.u32 s22, v56;
	[tilespmem:v17+s15+$0x0] =	vst.idx.msk $0xffff, v15;
	v59 =	vld.idx.msk [tilespmem:v12+s12+$0x0], $0xffff;
	v12 =	vshll.u32 v23, $0x7  }
0x80: {  	s24 =	sadd.s32 $0x8, s31;
	s23 =	sadd.s32 $0x10, s31;
	v23 =	vshll.u32 v26, $0x7;
	v39 =	vld.idx.msk [tilespmem:v28+s18+$0x0], $0xffff;
	v17 =	vor.u32 v11, v12;
	v12 =	vshll.u32 v24, $0x7  }
0x81: {  	p2 =	slt.u32 s24, s23;
	v24 =	vld.idx.msk [tilespmem:v28+s13+$0x0], $0xffff;
	v15 =	vor.u32 v11, v23;
	v23 =	vor.u32 v11, v12;
	[tilespmem:v13+s15+$0x0] =	vst.idx.msk $0xffff, v20  }
.Ltmp3:
0x82: {  	v63 =	vor.u32 v11, v40;
	[tilespmem:v27+s15+$0x0] =	vst.idx.msk $0xffff, v18;
	v27 =	vor.u32 v11, v31;
	v12 =	vld.idx.msk [tilespmem:v50+s18+$0x0], $0xffff;
	(pc) =	sbr.rel @!p2 .LBB2_9-.Ltmp3, $4  }
0x83: {  	v18 =	vor.u32 v11, v38;
	v37 =	vshll.u32 v14, $0x7;
	v20 =	vsel vm2, v30, v22;
	v5 =	vld.idx.msk [tilespmem:v50+s13+$0x0], $0xffff  }
0x84: {  	v31 =	vor.u32 v11, v37;
	v21 =	vshll.u32 v20, v62;
	v22 =	vsel vm2, v35, v25;
	v20 =	vld.idx.msk [tilespmem:v36+s18+$0x0], $0xffff  }
0x85: {  	v26 =	vld.idx.msk [tilespmem:v14+s18+$0x0], $0xffff;
	[tilespmem:v49+s15+$0x0] =	vst.idx.msk $0xffff, v19;
	v35 =	vadd.s32 v61, v21;
	v19 =	vshll.u32 v22, v62  }
0x86: {  	p1 =	por $0x0, $0x0;
	s25 =	sadd.s32 $0x20, s19;
	v28 =	vld.idx.msk [tilespmem:v14+s13+$0x0], $0xffff;
	v34 =	vadd.s32 v61, v19;
	v4 =	vsel vm2, v24, v39;
	[tilespmem:v23+s15+$0x0] =	vst.idx.msk $0xffff, v59  }
0x87: {  	_ =	sdelay $0x1  }
0x88: {  	s3 =	sadd.s32 $0xFFFFFFFC, s25;
	v24 =	vor.u32 s25, v8  }
0x89: {  	v23 =	vor.u32 s3, v8  }
0x8a: {  	v19 =	vld.idx.msk [tilespmem:v54+s18+$0x0], $0xffff;
	s1 =	sadd.s32 $0xFFFFFFE4, s25  }
0x8b: {  	v21 =	vld.idx.msk [tilespmem:v54+s13+$0x0], $0xffff;
	v16 =	vor.u32 s1, v8  }
0x8c: {  	s26 =	sadd.s32 $0xFFFFFFE8, s25;
	v29 =	vld.idx.msk [tilespmem:v35+s12+$0x0], $0xffff  }
0x8d: {  	s22 =	simm.s32 $0x0;
	v32 =	vor.u32 s26, v8;
	v33 =	vld.idx.msk [tilespmem:v24+s13+$0x0], $0xffff  }
0x8e: {  	s28 =	sadd.s32 $0xFFFFFFEC, s25;
	v1 =	vld.idx.msk [tilespmem:v23+s22+$0x0], $0xffff  }
0x8f: {  	v36 =	vor.u32 s28, v8;
	v37 =	vld.idx.msk [tilespmem:v23+s13+$0x0], $0xffff  }
0x90: {  	s29 =	sadd.s32 $0xFFFFFFF0, s25;
	v38 =	vld.idx.msk [tilespmem:v16+s22+$0x0], $0xffff  }
0x91: {  	v39 =	vor.u32 s29, v8;
	v40 =	vld.idx.msk [tilespmem:v16+s13+$0x0], $0xffff  }
0x92: {  	s30 =	sadd.s32 $0xFFFFFFF4, s25;
	v41 =	vld.idx.msk [tilespmem:v32+s22+$0x0], $0xffff  }
0x93: {  	v42 =	vor.u32 s30, v8;
	v43 =	vld.idx.msk [tilespmem:v32+s13+$0x0], $0xffff  }
0x94: {  	v44 =	vld.idx.msk [tilespmem:v36+s22+$0x0], $0xffff  }
0x95: {  	v46 =	vld.idx.msk [tilespmem:v36+s13+$0x0], $0xffff  }
0x96: {  	s31 =	sadd.s32 $0xFFFFFFF8, s25;
	v2 =	vld.idx.msk [tilespmem:v39+s22+$0x0], $0xffff  }
0x97: {  	v45 =	vor.u32 s31, v8;
	v47 =	vld.idx.msk [tilespmem:v39+s13+$0x0], $0xffff  }
0x98: {  	v26 =	vsel vm2, v28, v26;
	v28 =	vshll.u32 v4, v62;
	v54 =	vld.idx.msk [tilespmem:v42+s22+$0x0], $0xffff  }
0x99: {  	v28 =	vadd.s32 v61, v28;
	v59 =	vld.idx.msk [tilespmem:v42+s13+$0x0], $0xffff;
	v23 =	vshll.u32 v23, $0x7;
	v35 =	vsel vm0, v1, v37  }
0x9a: {  	v49 =	vor.u32 v55, v23;
	v38 =	vsel vm0, v38, v40;
	v1 =	vld.idx.msk [tilespmem:v24+s22+$0x0], $0xffff;
	v35 =	vshll.u32 v35, v51  }
0x9b: {  	v41 =	vsel vm0, v41, v43;
	v38 =	vshll.u32 v38, v51;
	v35 =	vadd.s32 v52, v35  }
0x9c: {  	v48 =	vld.idx.msk [tilespmem:v45+s22+$0x0], $0xffff;
	v44 =	vsel vm0, v44, v46;
	v41 =	vshll.u32 v41, v51;
	v38 =	vadd.s32 v52, v38  }
0x9d: {  	v0 =	vld.idx.msk [tilespmem:v45+s13+$0x0], $0xffff;
	v37 =	vsel vm0, v2, v47;
	v44 =	vshll.u32 v44, v51;
	v41 =	vadd.s32 v52, v41  }
0x9e: {  	v23 =	vld.idx.msk [tilespmem:v34+s12+$0x0], $0xffff;
	v43 =	vsel vm0, v54, v59;
	v2 =	vshll.u32 v37, v51;
	v44 =	vadd.s32 v52, v44  }
0x9f: {  	v28 =	vld.idx.msk [tilespmem:v28+s12+$0x0], $0xffff;
	v37 =	vshll.u32 v43, v51;
	v34 =	vadd.s32 v52, v2;
	v33 =	vsel vm0, v1, v33  }
0xa0: {  	v37 =	vadd.s32 v52, v37;
	v33 =	vshll.u32 v33, v51;
	v35 =	vld.idx.msk [tilespmem:v35+s12+$0x0], $0xffff  }
0xa1: {  	v38 =	vld.idx.msk [tilespmem:v38+s12+$0x0], $0xffff;
	v33 =	vadd.s32 v52, v33  }
0xa2: {  	v50 =	vor.u32 s3, v60;
	v16 =	vshll.u32 v16, $0x7;
	v40 =	vld.idx.msk [tilespmem:v41+s12+$0x0], $0xffff  }
0xa3: {  	v16 =	vor.u32 v55, v16;
	v54 =	vsel vm0, v48, v0;
	v44 =	vld.idx.msk [tilespmem:v44+s12+$0x0], $0xffff  }
0xa4: {  	v43 =	vor.u32 s1, v60;
	v41 =	vshll.u32 v54, v51;
	v34 =	vld.idx.msk [tilespmem:v34+s12+$0x0], $0xffff  }
0xa5: {  	v32 =	vshll.u32 v32, $0x7;
	v37 =	vld.idx.msk [tilespmem:v37+s12+$0x0], $0xffff;
	v59 =	vadd.s32 v52, v41  }
0xa6: {  	v32 =	vor.u32 v55, v32;
	[tilespmem:v49+s15+$0x0] =	vst.idx.msk $0xffff, v35;
	v33 =	vld.idx.msk [tilespmem:v33+s12+$0x0], $0xffff  }
0xa7: {  	v36 =	vshll.u32 v36, $0x7;
	v47 =	vor.u32 s26, v60;
	v0 =	vld.idx.msk [tilespmem:v50+s22+$0x0], $0xffff  }
0xa8: {  	[tilespmem:v16+s15+$0x0] =	vst.idx.msk $0xffff, v38;
	v16 =	vor.u32 v55, v36;
	v1 =	vld.idx.msk [tilespmem:v50+s13+$0x0], $0xffff  }
0xa9: {  	v2 =	vshll.u32 v39, $0x7;
	v39 =	vor.u32 s28, v60;
	v36 =	vld.idx.msk [tilespmem:v43+s22+$0x0], $0xffff  }
0xaa: {  	v38 =	vor.u32 v55, v2;
	v35 =	vld.idx.msk [tilespmem:v59+s12+$0x0], $0xffff  }
0xab: {  	v24 =	vshll.u32 v24, $0x7;
	v49 =	vor.u32 s29, v60;
	[tilespmem:v32+s15+$0x0] =	vst.idx.msk $0xffff, v40;
	v48 =	vld.idx.msk [tilespmem:v43+s13+$0x0], $0xffff  }
0xac: {  	v24 =	vor.u32 v55, v24;
	v54 =	vshll.u32 v42, $0x7;
	v41 =	vld.idx.msk [tilespmem:v47+s22+$0x0], $0xffff  }
0xad: {  	v9 =	vmov v52;
	v52 =	vor.u32 s25, v60;
	v40 =	vor.u32 v55, v54;
	v42 =	vld.idx.msk [tilespmem:v47+s13+$0x0], $0xffff;
	[tilespmem:v16+s15+$0x0] =	vst.idx.msk $0xffff, v44  }
0xae: {  	v16 =	vshll.u32 v45, $0x7;
	v44 =	vor.u32 s30, v60;
	v46 =	vsel vm1, v0, v1;
	v45 =	vld.idx.msk [tilespmem:v39+s22+$0x0], $0xffff  }
0xaf: {  	[tilespmem:v38+s15+$0x0] =	vst.idx.msk $0xffff, v34;
	v59 =	vld.idx.msk [tilespmem:v39+s13+$0x0], $0xffff;
	v32 =	vshll.u32 v46, v57;
	v46 =	vor.u32 v55, v16  }
0xb0: {  	v13 =	vmov v51;
	[tilespmem:v17+s15+$0x0] =	vst.idx.msk $0xffff, v29;
	v38 =	vor.u32 s31, v60;
	v51 =	vld.idx.msk [tilespmem:v49+s22+$0x0], $0xffff  }
0xb1: {  	v26 =	vshll.u32 v26, v62;
	v2 =	vshll.u32 v50, $0x7;
	[tilespmem:v24+s15+$0x0] =	vst.idx.msk $0xffff, v33;
	v0 =	vld.idx.msk [tilespmem:v49+s13+$0x0], $0xffff  }
0xb2: {  	v26 =	vadd.s32 v61, v26;
	[tilespmem:v40+s15+$0x0] =	vst.idx.msk $0xffff, v37;
	v37 =	vor.u32 v3, v2;
	v2 =	vld.idx.msk [tilespmem:v52+s22+$0x0], $0xffff  }
0xb3: {  	v17 =	vshll.u32 v49, $0x7;
	v24 =	vsel vm1, v41, v42;
	v32 =	vadd.s32 v58, v32;
	v29 =	vld.idx.msk [tilespmem:v44+s22+$0x0], $0xffff  }
0xb4: {  	v49 =	vsel vm1, v36, v48;
	v24 =	vshll.u32 v24, v57;
	v50 =	vld.idx.msk [tilespmem:v44+s13+$0x0], $0xffff;
	[tilespmem:v46+s15+$0x0] =	vst.idx.msk $0xffff, v35  }
0xb5: {  	v24 =	vadd.s32 v58, v24;
	v34 =	vsel vm1, v45, v59;
	v35 =	vshll.u32 v49, v57;
	v33 =	vld.idx.msk [tilespmem:v38+s22+$0x0], $0xffff  }
0xb6: {  	v1 =	vsel vm1, v51, v0;
	v34 =	vshll.u32 v34, v57;
	v35 =	vadd.s32 v58, v35;
	v59 =	vld.idx.msk [tilespmem:v38+s13+$0x0], $0xffff  }
0xb7: {  	v48 =	vld.idx.msk [tilespmem:v52+s13+$0x0], $0xffff;
	v42 =	vshll.u32 v1, v57;
	v34 =	vadd.s32 v58, v34  }
0xb8: {  	v32 =	vld.idx.msk [tilespmem:v32+s12+$0x0], $0xffff;
	v30 =	vadd.s32 v58, v42  }
0xb9: {  	v40 =	vshll.u32 v44, $0x7;
	v36 =	vld.idx.msk [tilespmem:v26+s12+$0x0], $0xffff;
	v44 =	vor.u32 s3, v56;
	v29 =	vsel vm1, v29, v50  }
0xba: {  	v20 =	vsel vm2, v7, v20;
	v43 =	vshll.u32 v43, $0x7;
	v24 =	vld.idx.msk [tilespmem:v24+s12+$0x0], $0xffff;
	v29 =	vshll.u32 v29, v57  }
0xbb: {  	v50 =	vor.u32 v3, v43;
	v29 =	vadd.s32 v58, v29;
	v35 =	vld.idx.msk [tilespmem:v35+s12+$0x0], $0xffff;
	v33 =	vsel vm1, v33, v59  }
0xbc: {  	v20 =	vshll.u32 v20, v62;
	v43 =	vor.u32 s1, v56;
	v34 =	vld.idx.msk [tilespmem:v34+s12+$0x0], $0xffff;
	v33 =	vshll.u32 v33, v57  }
0xbd: {  	[tilespmem:v37+s15+$0x0] =	vst.idx.msk $0xffff, v32;
	v30 =	vld.idx.msk [tilespmem:v30+s12+$0x0], $0xffff;
	v32 =	vsel vm1, v2, v48;
	v33 =	vadd.s32 v58, v33  }
0xbe: {  	v47 =	vshll.u32 v47, $0x7;
	v45 =	vor.u32 v3, v17;
	v37 =	vld.idx.msk [tilespmem:v44+s22+$0x0], $0xffff;
	v17 =	vshll.u32 v32, v57  }
0xbf: {  	v19 =	vsel vm2, v21, v19;
	v41 =	vor.u32 v3, v47;
	v49 =	vld.idx.msk [tilespmem:v44+s13+$0x0], $0xffff;
	v17 =	vadd.s32 v58, v17  }
0xc0: {  	v54 =	vor.u32 s25, v56;
	v39 =	vshll.u32 v39, $0x7;
	v59 =	vor.u32 s26, v56;
	[tilespmem:v50+s15+$0x0] =	vst.idx.msk $0xffff, v35;
	v35 =	vld.idx.msk [tilespmem:v29+s12+$0x0], $0xffff  }
0xc1: {  	v26 =	vshll.u32 v52, $0x7;
	v47 =	vor.u32 s29, v56;
	v39 =	vor.u32 v3, v39;
	v46 =	vld.idx.msk [tilespmem:v43+s22+$0x0], $0xffff  }
0xc2: {  	v38 =	vshll.u32 v38, $0x7;
	v42 =	vor.u32 v3, v26;
	v26 =	vor.u32 s28, v56;
	v1 =	vld.idx.msk [tilespmem:v33+s12+$0x0], $0xffff;
	[tilespmem:$0x1FFD0] =	vst v18  }
0xc3: {  	v40 =	vor.u32 v3, v40;
	v0 =	vor.u32 s31, v56;
	v38 =	vor.u32 v3, v38;
	v22 =	vld.idx.msk [tilespmem:v43+s13+$0x0], $0xffff  }
0xc4: {  	v52 =	vshll.u32 v0, $0x7;
	v48 =	vor.u32 s30, v56;
	v51 =	vsel vm2, v49, v37;
	[tilespmem:v41+s15+$0x0] =	vst.idx.msk $0xffff, v24;
	v25 =	vld.idx.msk [tilespmem:v17+s12+$0x0], $0xffff  }
0xc5: {  	v50 =	vadd.s32 v61, v20;
	v29 =	vshll.u32 v51, v62;
	[tilespmem:v15+s15+$0x0] =	vst.idx.msk $0xffff, v23;
	v20 =	vld.idx.msk [tilespmem:v59+s22+$0x0], $0xffff  }
0xc6: {  	v18 =	vsel vm2, v5, v12;
	v29 =	vadd.s32 v61, v29;
	[tilespmem:v39+s15+$0x0] =	vst.idx.msk $0xffff, v34;
	v2 =	vld.idx.msk [tilespmem:v59+s13+$0x0], $0xffff  }
0xc7: {  	v18 =	vshll.u32 v18, v62;
	v17 =	vshll.u32 v19, v62;
	[tilespmem:v45+s15+$0x0] =	vst.idx.msk $0xffff, v30;
	v39 =	vld.idx.msk [tilespmem:v26+s22+$0x0], $0xffff  }
0xc8: {  	v15 =	vshll.u32 v43, $0x7;
	[tilespmem:v27+s15+$0x0] =	vst.idx.msk $0xffff, v28;
	v32 =	vadd.s32 v61, v18;
	v18 =	vshll.u32 v59, $0x7;
	v59 =	vld.idx.msk [tilespmem:v26+s13+$0x0], $0xffff  }
0xc9: {  	v23 =	vshll.u32 v26, $0x7;
	v30 =	vshll.u32 v44, $0x7;
	[tilespmem:v31+s15+$0x0] =	vst.idx.msk $0xffff, v36;
	v19 =	vadd.s32 v61, v17;
	v26 =	vld.idx.msk [tilespmem:v47+s22+$0x0], $0xffff  }
0xca: {  	s24 =	sadd.s32 $0x8, s24;
	v17 =	vor.u32 v11, v15;
	v49 =	vor.u32 v11, v23;
	v30 =	vor.u32 v11, v30;
	v28 =	vld.idx.msk [tilespmem:v47+s13+$0x0], $0xffff  }
0xcb: {  	p2 =	slt.u32 s24, s23;
	v24 =	vshll.u32 v47, $0x7;
	v15 =	vor.u32 v11, v18;
	v18 =	vshll.u32 v54, $0x7;
	[tilespmem:v40+s15+$0x0] =	vst.idx.msk $0xffff, v35;
	v41 =	vld.idx.msk [tilespmem:v29+s12+$0x0], $0xffff  }
.Ltmp4:
0xcc: {  	v14 =	vor.u32 v11, v24;
	v24 =	vor.u32 v11, v52;
	v27 =	vor.u32 v11, v18;
	v12 =	vld.idx.msk [tilespmem:v48+s22+$0x0], $0xffff;
	(pc) =	sbr.rel @!p2 .LBB2_11-.Ltmp4, $4  }
0xcd: {  	v10 =	vmov v55;
	v5 =	vld.idx.msk [tilespmem:v48+s13+$0x0], $0xffff;
	v23 =	vmov v3;
	[tilespmem:v38+s15+$0x0] =	vst.idx.msk $0xffff, v1;
	v22 =	vsel vm2, v22, v46  }
0xce: {  	v29 =	vshll.u32 v48, $0x7;
	[tilespmem:v42+s15+$0x0] =	vst.idx.msk $0xffff, v25;
	v22 =	vshll.u32 v22, v62;
	v31 =	vsel vm2, v2, v20  }
0xcf: {  	v7 =	vld.idx.msk [tilespmem:v0+s13+$0x0], $0xffff;
	v33 =	vor.u32 v11, v29;
	v35 =	vadd.s32 v61, v22;
	v25 =	vshll.u32 v31, v62  }
0xd0: {  	p1 =	por $0x1, $0x1;
	s25 =	sadd.s32 $0x20, s25;
	v20 =	vld.idx.msk [tilespmem:v0+s22+$0x0], $0xffff;
	v4 =	vsel vm2, v59, v39;
	v34 =	vadd.s32 v61, v25;
	[tilespmem:v30+s15+$0x0] =	vst.idx.msk $0xffff, v41  }
.LBB2_12:
0xd1: {  	s26 =	sadd.s32 $0xFFFFFFFC, s25  }
0xd2: {  	v29 =	vmov v19;
	v19 =	vld.idx.msk [tilespmem:v54+s22+$0x0], $0xffff;
	v21 =	vmov v11;
	v11 =	vor.u32 s26, v8  }
0xd3: {  	v22 =	vld.idx.msk [tilespmem:v54+s13+$0x0], $0xffff;
	s31 =	sadd.s32 $0xFFFFFFE4, s25  }
0xd4: {  	v35 =	vld.idx.msk [tilespmem:v35+s12+$0x0], $0xffff;
	v40 =	vor.u32 s31, v8  }
0xd5: {  	s30 =	sadd.s32 $0xFFFFFFE8, s25;
	v32 =	vld.idx.msk [tilespmem:v32+s12+$0x0], $0xffff  }
0xd6: {  	v34 =	vld.idx.msk [tilespmem:v34+s12+$0x0], $0xffff;
	v37 =	vor.u32 s30, v8  }
0xd7: {  	s3 =	sadd.s32 $0xFFFFFFEC, s25;
	v59 =	vor.u32 s25, v8;
	v43 =	vshll.u32 v40, $0x7;
	v2 =	vld.idx.msk [tilespmem:v11+s22+$0x0], $0xffff  }
0xd8: {  	[tilespmem:$0x1FF70] =	vst v27;
	s1 =	sadd.s32 $0xFFFFFFF8, s25;
	v27 =	vmovc v63;
	v38 =	vor.u32 s3, v8;
	v46 =	vshll.u32 v59, $0x7;
	v63 =	vor.u32 v10, v43;
	v43 =	vld.idx.msk [tilespmem:v11+s13+$0x0], $0xffff  }
0xd9: {  	v36 =	vor.u32 s25, v56;
	s28 =	sadd.s32 $0xFFFFFFF0, s25;
	v18 =	vmovc v62;
	v62 =	vor.u32 s1, v8;
	v52 =	vor.u32 v10, v46;
	v46 =	vld.idx.msk [tilespmem:v40+s22+$0x0], $0xffff  }
0xda: {  	[tilespmem:$0x1FFA0] =	vst v49;
	v54 =	vmov v36;
	v36 =	vor.u32 s28, v8;
	v49 =	vshll.u32 v62, $0x7;
	v40 =	vld.idx.msk [tilespmem:v40+s13+$0x0], $0xffff  }
0xdb: {  	v0 =	vmov v56;
	s29 =	sadd.s32 $0xFFFFFFF4, s25;
	v3 =	vld.idx.msk [tilespmem:v37+s22+$0x0], $0xffff  }
0xdc: {  	v48 =	vor.u32 s29, v60;
	v47 =	vor.u32 s1, v60;
	v39 =	vor.u32 s29, v8;
	[tilespmem:v17+s15+$0x0] =	vst.idx.msk $0xffff, v35;
	v17 =	vld.idx.msk [tilespmem:v37+s13+$0x0], $0xffff  }
0xdd: {  	v51 =	vor.u32 v10, v49;
	v49 =	vmov v53;
	v53 =	vshll.u32 v48, $0x7;
	[tilespmem:v15+s15+$0x0] =	vst.idx.msk $0xffff, v34;
	v15 =	vld.idx.msk [tilespmem:v38+s22+$0x0], $0xffff  }
0xde: {  	v8 =	vmovc v0;
	v0 =	vmovc v4;
	v4 =	vshll.u32 v47, $0x7;
	v25 =	vmov v5;
	v42 =	vshll.u32 v38, $0x7;
	v5 =	vld.idx.msk [tilespmem:v38+s13+$0x0], $0xffff  }
0xdf: {  	v4 =	vor.u32 v23, v4;
	v6 =	vld.idx.msk [tilespmem:v36+s22+$0x0], $0xffff;
	v38 =	vor.u32 v23, v53;
	v2 =	vsel vm0, v2, v43  }
0xe0: {  	[tilespmem:$0x1FFC0] =	vst v4;
	v53 =	vmov v7;
	v7 =	vld.idx.msk [tilespmem:v36+s13+$0x0], $0xffff;
	v4 =	vsel vm0, v46, v40;
	v2 =	vshll.u32 v2, v13  }
0xe1: {  	v40 =	vld [tilespmem:$0x1FFD0];
	v3 =	vsel vm0, v3, v17;
	v4 =	vshll.u32 v4, v13;
	v2 =	vadd.s32 v9, v2  }
0xe2: {  	v1 =	vld.idx.msk [tilespmem:v59+s13+$0x0], $0xffff;
	v3 =	vshll.u32 v3, v13;
	v4 =	vadd.s32 v9, v4  }
0xe3: {  	v30 =	vmov v20;
	v20 =	vld.idx.msk [tilespmem:v39+s22+$0x0], $0xffff;
	v3 =	vadd.s32 v9, v3  }
0xe4: {  	v26 =	vsel vm2, v28, v26;
	v28 =	vld.idx.msk [tilespmem:v59+s22+$0x0], $0xffff;
	v5 =	vsel vm0, v15, v5  }
0xe5: {  	v15 =	vld.idx.msk [tilespmem:v62+s13+$0x0], $0xffff;
	v5 =	vshll.u32 v5, v13  }
0xe6: {  	v5 =	vadd.s32 v9, v5;
	v6 =	vsel vm0, v6, v7;
	v2 =	vld.idx.msk [tilespmem:v2+s12+$0x0], $0xffff  }
0xe7: {  	v6 =	vshll.u32 v6, v13;
	v4 =	vld.idx.msk [tilespmem:v4+s12+$0x0], $0xffff  }
0xe8: {  	[tilespmem:$0x1FFB0] =	vst v14;
	v41 =	vshll.u32 v37, $0x7;
	v6 =	vadd.s32 v9, v6;
	v3 =	vld.idx.msk [tilespmem:v3+s12+$0x0], $0xffff  }
0xe9: {  	v16 =	vmov v57;
	v57 =	vor.u32 s31, v60;
	v14 =	vor.u32 v10, v41;
	[tilespmem:v40+s15+$0x0] =	vst.idx.msk $0xffff, v32;
	v32 =	vld.idx.msk [tilespmem:v62+s22+$0x0], $0xffff  }
0xea: {  	[tilespmem:$0x1FF60] =	vst v24;
	v55 =	vor.u32 s30, v60;
	v44 =	vshll.u32 v36, $0x7;
	v22 =	vsel vm2, v22, v19;
	v17 =	vld.idx.msk [tilespmem:v39+s13+$0x0], $0xffff  }
0xeb: {  	v45 =	vshll.u32 v39, $0x7;
	v24 =	vor.u32 v10, v44;
	v5 =	vld.idx.msk [tilespmem:v5+s12+$0x0], $0xffff;
	v62 =	vmovc v18;
	v39 =	vmovc v33;
	v33 =	vshll.u32 v11, $0x7  }
0xec: {  	v18 =	vsel vm2, v25, v12;
	v25 =	vshll.u32 v26, v62;
	v26 =	vld.idx.msk [tilespmem:v29+s12+$0x0], $0xffff;
	v7 =	vor.u32 v10, v33  }
0xed: {  	v37 =	vor.u32 s29, v8;
	v59 =	vor.u32 s26, v60;
	v36 =	vor.u32 s1, v8;
	v6 =	vld.idx.msk [tilespmem:v6+s12+$0x0], $0xffff  }
0xee: {  	v46 =	vor.u32 s31, v8;
	v43 =	vor.u32 s30, v8;
	v40 =	vor.u32 s3, v8;
	[tilespmem:v14+s15+$0x0] =	vst.idx.msk $0xffff, v3;
	v14 =	vld [tilespmem:$0x1FF60]  }
0xef: {  	[tilespmem:v63+s15+$0x0] =	vst.idx.msk $0xffff, v4;
	v15 =	vsel vm0, v32, v15;
	v12 =	vsel vm0, v20, v17;
	v20 =	vld.idx.msk [tilespmem:v50+s12+$0x0], $0xffff  }
0xf0: {  	[tilespmem:$0x1FFD0] =	vst v39;
	v39 =	vor.u32 s28, v8;
	v17 =	vsel vm2, v53, v30;
	v15 =	vshll.u32 v15, v13;
	v30 =	vld.idx.msk [tilespmem:v57+s13+$0x0], $0xffff  }
0xf1: {  	v12 =	vshll.u32 v12, v13;
	[tilespmem:v7+s15+$0x0] =	vst.idx.msk $0xffff, v2;
	v7 =	vadd.s32 v9, v15;
	v2 =	vld.idx.msk [tilespmem:v57+s22+$0x0], $0xffff  }
0xf2: {  	v11 =	vmovc v21;
	v33 =	vshll.u32 v18, v62;
	v3 =	vshll.u32 v46, $0x7;
	v12 =	vadd.s32 v9, v12;
	v18 =	vld.idx.msk [tilespmem:v59+s22+$0x0], $0xffff  }
0xf3: {  	[tilespmem:v24+s15+$0x0] =	vst.idx.msk $0xffff, v6;
	v15 =	vshll.u32 v17, v62;
	v17 =	vshll.u32 v22, v62;
	v4 =	vld.idx.msk [tilespmem:v59+s13+$0x0], $0xffff  }
0xf4: {  	v19 =	vadd.s32 v61, v17;
	v17 =	vor.u32 v11, v3;
	v3 =	vshll.u32 v36, $0x7;
	v63 =	vmovc v14;
	v14 =	vmovc v8;
	v8 =	vld [tilespmem:$0x1FFF0]  }
0xf5: {  	v50 =	vsel vm0, v28, v1;
	v24 =	vor.u32 v11, v3;
	v3 =	vld [tilespmem:$0x1FF70];
	[tilespmem:v27+s15+$0x0] =	vst.idx.msk $0xffff, v20  }
0xf6: {  	[tilespmem:$0x1FF80] =	vst v51;
	v51 =	vor.u32 s28, v60;
	v21 =	vshll.u32 v0, v62;
	v0 =	vshll.u32 v50, v13;
	v7 =	vld.idx.msk [tilespmem:v7+s12+$0x0], $0xffff  }
0xf7: {  	v56 =	vor.u32 v10, v42;
	v0 =	vadd.s32 v9, v0;
	v53 =	vld.idx.msk [tilespmem:v12+s12+$0x0], $0xffff  }
0xf8: {  	[tilespmem:$0x1FF90] =	vst v52;
	v52 =	vor.u32 s3, v60;
	v12 =	vshll.u32 v43, $0x7;
	v4 =	vsel vm1, v18, v4;
	v18 =	vld.idx.msk [tilespmem:v55+s13+$0x0], $0xffff  }
0xf9: {  	v45 =	vor.u32 v10, v45;
	v50 =	vadd.s32 v61, v15;
	v15 =	vor.u32 v11, v12;
	v12 =	vld.idx.msk [tilespmem:v55+s22+$0x0], $0xffff  }
0xfa: {  	v41 =	vshll.u32 v57, $0x7;
	v57 =	vmovc v16;
	v20 =	vshll.u32 v39, $0x7;
	v4 =	vshll.u32 v4, v16;
	v16 =	vld [tilespmem:$0x1FF80]  }
0xfb: {  	[tilespmem:v49+s15+$0x0] =	vst.idx.msk $0xffff, v26;
	v6 =	vor.u32 v11, v20;
	v20 =	vld.idx.msk [tilespmem:v51+s13+$0x0], $0xffff  }
0xfc: {  	[tilespmem:v56+s15+$0x0] =	vst.idx.msk $0xffff, v5;
	v0 =	vld.idx.msk [tilespmem:v0+s12+$0x0], $0xffff;
	v49 =	vadd.s32 v58, v4  }
0xfd: {  	v4 =	vld.idx.msk [tilespmem:v52+s22+$0x0], $0xffff  }
0xfe: {  	v44 =	vshll.u32 v52, $0x7;
	v5 =	vshll.u32 v40, $0x7;
	[tilespmem:v45+s15+$0x0] =	vst.idx.msk $0xffff, v53;
	v53 =	vmov v3;
	v3 =	vld.idx.msk [tilespmem:v52+s13+$0x0], $0xffff  }
0xff: {  	v56 =	vshll.u32 v54, $0x7;
	v32 =	vadd.s32 v61, v33;
	v12 =	vsel vm1, v12, v18;
	v18 =	vld.idx.msk [tilespmem:v48+s22+$0x0], $0xffff  }
0x100: {  	v5 =	vor.u32 v11, v5;
	v28 =	vshll.u32 v37, $0x7;
	v2 =	vsel vm1, v2, v30;
	v26 =	vld.idx.msk [tilespmem:v48+s13+$0x0], $0xffff  }
0x101: {  	v27 =	vor.u32 v11, v56;
	v56 =	vshll.u32 v59, $0x7;
	v2 =	vshll.u32 v2, v57;
	v1 =	vld.idx.msk [tilespmem:v49+s12+$0x0], $0xffff  }
0x102: {  	v52 =	vadd.s32 v58, v2;
	v2 =	vor.u32 v23, v56;
	[tilespmem:v16+s15+$0x0] =	vst.idx.msk $0xffff, v7;
	v7 =	vld.idx.msk [tilespmem:v51+s22+$0x0], $0xffff  }
0x103: {  	v33 =	vor.u32 v11, v28;
	v28 =	vor.u32 s26, v14;
	v12 =	vshll.u32 v12, v57;
	v16 =	vld [tilespmem:$0x1FF90]  }
0x104: {  	v49 =	vmov v5;
	v5 =	vld [tilespmem:$0x1FFB0];
	v12 =	vadd.s32 v58, v12  }
0x105: {  	v35 =	vshll.u32 v51, $0x7;
	v51 =	vld [tilespmem:$0x1FFA0];
	v3 =	vsel vm1, v4, v3  }
0x106: {  	v4 =	vld.idx.msk [tilespmem:v47+s22+$0x0], $0xffff;
	v3 =	vshll.u32 v3, v57  }
0x107: {  	v30 =	vld.idx.msk [tilespmem:v47+s13+$0x0], $0xffff;
	v3 =	vadd.s32 v58, v3;
	[tilespmem:v2+s15+$0x0] =	vst.idx.msk $0xffff, v1  }
0x108: {  	v31 =	vor.u32 s25, v60;
	v18 =	vsel vm1, v18, v26;
	v26 =	vld.idx.msk [tilespmem:v28+s13+$0x0], $0xffff;
	v7 =	vsel vm1, v7, v20  }
0x109: {  	v18 =	vshll.u32 v18, v57;
	v12 =	vld.idx.msk [tilespmem:v12+s12+$0x0], $0xffff;
	v7 =	vshll.u32 v7, v57  }
0x10a: {  	v42 =	vshll.u32 v55, $0x7;
	v18 =	vadd.s32 v58, v18;
	v45 =	vadd.s32 v58, v7;
	v7 =	vld.idx.msk [tilespmem:v28+s22+$0x0], $0xffff  }
0x10b: {  	v42 =	vor.u32 v23, v42;
	[tilespmem:v16+s15+$0x0] =	vst.idx.msk $0xffff, v0;
	v0 =	vld.idx.msk [tilespmem:v52+s12+$0x0], $0xffff  }
0x10c: {  	v3 =	vld.idx.msk [tilespmem:v3+s12+$0x0], $0xffff  }
0x10d: {  	v20 =	vld.idx.msk [tilespmem:v31+s22+$0x0], $0xffff  }
0x10e: {  	v22 =	vadd.s32 v61, v21;
	v4 =	vsel vm1, v4, v30;
	v59 =	vld.idx.msk [tilespmem:v31+s13+$0x0], $0xffff  }
0x10f: {  	v41 =	vor.u32 v23, v41;
	v25 =	vadd.s32 v61, v25;
	v4 =	vshll.u32 v4, v57;
	v47 =	vld.idx.msk [tilespmem:v18+s12+$0x0], $0xffff  }
0x110: {  	v44 =	vor.u32 v23, v44;
	v4 =	vadd.s32 v58, v4;
	[tilespmem:v42+s15+$0x0] =	vst.idx.msk $0xffff, v12;
	v12 =	vld [tilespmem:$0x1FFC0]  }
0x111: {  	v52 =	vld.idx.msk [tilespmem:v43+s22+$0x0], $0xffff  }
0x112: {  	v2 =	vld.idx.msk [tilespmem:v45+s12+$0x0], $0xffff;
	v7 =	vsel vm2, v26, v7  }
0x113: {  	v35 =	vor.u32 v23, v35;
	v7 =	vshll.u32 v7, v62;
	v1 =	vsel vm1, v20, v59;
	v20 =	vld.idx.msk [tilespmem:v22+s12+$0x0], $0xffff  }
0x114: {  	[tilespmem:v41+s15+$0x0] =	vst.idx.msk $0xffff, v0;
	v22 =	vld.idx.msk [tilespmem:v25+s12+$0x0], $0xffff;
	v7 =	vadd.s32 v61, v7  }
0x115: {  	[tilespmem:v44+s15+$0x0] =	vst.idx.msk $0xffff, v3;
	v3 =	vld.idx.msk [tilespmem:v4+s12+$0x0], $0xffff  }
0x116: {  	v18 =	vld.idx.msk [tilespmem:v46+s22+$0x0], $0xffff  }
0x117: {  	v4 =	vld.idx.msk [tilespmem:v46+s13+$0x0], $0xffff;
	[tilespmem:v38+s15+$0x0] =	vst.idx.msk $0xffff, v47;
	v1 =	vshll.u32 v1, v57  }
0x118: {  	v56 =	vmov v14;
	v14 =	vmov v6;
	v6 =	vld.idx.msk [tilespmem:v43+s13+$0x0], $0xffff;
	v1 =	vadd.s32 v58, v1;
	[tilespmem:v35+s15+$0x0] =	vst.idx.msk $0xffff, v2  }
0x119: {  	[tilespmem:v51+s15+$0x0] =	vst.idx.msk $0xffff, v20;
	v55 =	vld.idx.msk [tilespmem:v7+s12+$0x0], $0xffff  }
0x11a: {  	[tilespmem:v12+s15+$0x0] =	vst.idx.msk $0xffff, v3;
	v12 =	vld.idx.msk [tilespmem:v37+s22+$0x0], $0xffff  }
0x11b: {  	[tilespmem:v5+s15+$0x0] =	vst.idx.msk $0xffff, v22;
	v5 =	vshll.u32 v28, $0x7;
	v7 =	vld.idx.msk [tilespmem:v40+s22+$0x0], $0xffff  }
0x11c: {  	s24 =	sadd.s32 $0x8, s24;
	v34 =	vshll.u32 v31, $0x7;
	v3 =	vsel vm2, v4, v18;
	v5 =	vor.u32 v11, v5;
	v4 =	vld.idx.msk [tilespmem:v40+s13+$0x0], $0xffff  }
0x11d: {  	p2 =	slt.u32 s24, s23;
	v34 =	vor.u32 v23, v34;
	v1 =	vld.idx.msk [tilespmem:v1+s12+$0x0], $0xffff  }
.Ltmp5:
0x11e: {  	v26 =	vld.idx.msk [tilespmem:v39+s22+$0x0], $0xffff;
	(pc) =	sbr.rel @p2 .LBB2_12-.Ltmp5, $4  }
0x11f: {  	v28 =	vld.idx.msk [tilespmem:v39+s13+$0x0], $0xffff  }
0x120: {  	v59 =	vsel vm2, v6, v52;
	v3 =	vshll.u32 v3, v62;
	v20 =	vld.idx.msk [tilespmem:v36+s22+$0x0], $0xffff  }
0x121: {  	v0 =	vshll.u32 v59, v62;
	v35 =	vadd.s32 v61, v3;
	[tilespmem:v5+s15+$0x0] =	vst.idx.msk $0xffff, v55;
	v5 =	vld.idx.msk [tilespmem:v37+s13+$0x0], $0xffff  }
0x122: {  	s25 =	sadd.s32 $0x20, s25;
	v4 =	vsel vm2, v4, v7;
	v7 =	vld.idx.msk [tilespmem:v36+s13+$0x0], $0xffff;
	[tilespmem:v34+s15+$0x0] =	vst.idx.msk $0xffff, v1;
	v34 =	vadd.s32 v61, v0  }
0x123: {  	v37 =	vmovc v63;
	v38 =	vmovc v53;
	v18 =	vmov v33;
	v63 =	vmov v24;
	v53 =	vmov v27  }
0x124: {  	v36 =	vld [tilespmem:$0x1FFD0];
	v27 =	vmovc v49;
	v31 =	vmovc v14;
	v51 =	vmov v13;
	v52 =	vmov v9;
	v55 =	vmov v10  }
.LBB2_14:
0x125: {  	_ =	sdelay $0x3  }
0x126: {  	v0 =	vld.idx.msk [tilespmem:v54+s22+$0x0], $0xffff  }
0x127: {  	v1 =	vld.idx.msk [tilespmem:v54+s13+$0x0], $0xffff;
	_ =	sdelay $0x1  }
0x128: {  	v2 =	vsel vm2, v28, v26;
	v3 =	vshll.u32 v4, v62  }
0x129: {  	v4 =	vld.idx.msk [tilespmem:v35+s12+$0x0], $0xffff;
	v5 =	vsel vm2, v5, v12;
	v2 =	vshll.u32 v2, v62;
	v3 =	vadd.s32 v61, v3  }
0x12a: {  	v6 =	vld.idx.msk [tilespmem:v34+s12+$0x0], $0xffff;
	v7 =	vsel vm2, v7, v20;
	v5 =	vshll.u32 v5, v62;
	v2 =	vadd.s32 v61, v2  }
0x12b: {  	v16 =	vld.idx.msk @p1 [tilespmem:v19+s12+$0x0], $0xffff;
	v5 =	vadd.s32 v61, v5;
	v0 =	vsel vm2, v1, v0;
	v1 =	vshll.u32 v7, v62  }
0x12c: {  	v12 =	vld.idx.msk @p1 [tilespmem:v32+s12+$0x0], $0xffff;
	v0 =	vshll.u32 v0, v62;
	v1 =	vadd.s32 v61, v1  }
0x12d: {  	v7 =	vld.idx.msk @p1 [tilespmem:v50+s12+$0x0], $0xffff;
	v0 =	vadd.s32 v61, v0  }
0x12e: {  	[tilespmem:v17+s15+$0x0] =	vst.idx.msk $0xffff, v4;
	v3 =	vld.idx.msk [tilespmem:v3+s12+$0x0], $0xffff  }
0x12f: {  	[tilespmem:v15+s15+$0x0] =	vst.idx.msk $0xffff, v6;
	v2 =	vld.idx.msk [tilespmem:v2+s12+$0x0], $0xffff  }
0x130: {  	[tilespmem:v38+s15+$0x0] =	vst.idx.msk @p1 $0xffff, v16;
	v4 =	vld.idx.msk [tilespmem:v5+s12+$0x0], $0xffff  }
0x131: {  	[tilespmem:v36+s15+$0x0] =	vst.idx.msk @p1 $0xffff, v12;
	v1 =	vld.idx.msk [tilespmem:v1+s12+$0x0], $0xffff  }
0x132: {  	[tilespmem:v37+s15+$0x0] =	vst.idx.msk @p1 $0xffff, v7;
	v0 =	vld.idx.msk [tilespmem:v0+s12+$0x0], $0xffff  }
0x133: {  	[tilespmem:v27+s15+$0x0] =	vst.idx.msk $0xffff, v3  }
0x134: {  	[tilespmem:v31+s15+$0x0] =	vst.idx.msk $0xffff, v2  }
0x135: {  	[tilespmem:v18+s15+$0x0] =	vst.idx.msk $0xffff, v4  }
0x136: {  	[tilespmem:v63+s15+$0x0] =	vst.idx.msk $0xffff, v1  }
0x137: {  	[tilespmem:v53+s15+$0x0] =	vst.idx.msk $0xffff, v0  }
0x138: {  	v3 =	vld [tilespmem:$0x1FFE0]  }
.LBB2_15:
0x139: {  	s1 =	sadd.s32 s22, s20  }
0x13a: {  	v0 =	vor.u32 s1, v8;
	_ =	sdelay $0x4  }
0x13b: {  	v1 =	vld.idx.msk [tilespmem:v0+s2+$0x0], $0xffff  }
0x13c: {  	v2 =	vld.idx.msk [tilespmem:v0+s13+$0x0], $0xffff;
	_ =	sdelay $0x4  }
0x13d: {  	v1 =	vsel vm0, v1, v2  }
0x13e: {  	v1 =	vshll.u32 v1, v51  }
0x13f: {  	v1 =	vadd.s32 v52, v1;
	_ =	sdelay $0x3  }
0x140: {  	v0 =	vshll.u32 v0, $0x7  }
0x141: {  	v0 =	vor.u32 v55, v0;
	v1 =	vld.idx.msk [tilespmem:v1+s12+$0x0], $0xffff  }
0x142: {  	v2 =	vor.u32 s1, v60;
	_ =	sdelay $0x3  }
0x143: {  	[tilespmem:v0+s15+$0x0] =	vst.idx.msk $0xffff, v1  }
0x144: {  	v0 =	vld.idx.msk [tilespmem:v2+s2+$0x0], $0xffff  }
0x145: {  	v1 =	vld.idx.msk [tilespmem:v2+s13+$0x0], $0xffff;
	_ =	sdelay $0x4  }
0x146: {  	v0 =	vsel vm1, v0, v1  }
0x147: {  	v0 =	vshll.u32 v0, v57  }
0x148: {  	v0 =	vadd.s32 v58, v0;
	_ =	sdelay $0x3  }
0x149: {  	v1 =	vshll.u32 v2, $0x7  }
0x14a: {  	v1 =	vor.u32 v3, v1;
	v0 =	vld.idx.msk [tilespmem:v0+s12+$0x0], $0xffff  }
0x14b: {  	v2 =	vor.u32 s1, v56;
	_ =	sdelay $0x3  }
0x14c: {  	[tilespmem:v1+s15+$0x0] =	vst.idx.msk $0xffff, v0  }
0x14d: {  	v0 =	vld.idx.msk [tilespmem:v2+s2+$0x0], $0xffff  }
0x14e: {  	v1 =	vld.idx.msk [tilespmem:v2+s13+$0x0], $0xffff;
	_ =	sdelay $0x4  }
0x14f: {  	v0 =	vsel vm2, v1, v0  }
0x150: {  	v0 =	vshll.u32 v0, v62  }
0x151: {  	v0 =	vadd.s32 v61, v0;
	_ =	sdelay $0x3  }
0x152: {  	v1 =	vshll.u32 v2, $0x7  }
0x153: {  	p1 =	sne.s32 s22, $0x14;
	v1 =	vor.u32 v11, v1;
	v0 =	vld.idx.msk [tilespmem:v0+s12+$0x0], $0xffff  }
.Ltmp6:
0x154: {  	_ = 	snop;
	(pc) =	sbr.rel @p1 .LBB2_15-.Ltmp6, $2  }
0x155: {  	_ =	sdelay $0x2  }
0x156: {  	s22 =	sadd.s32 $0x4, s22;
	[tilespmem:v1+s15+$0x0] =	vst.idx.msk $0xffff, v0  }
0x157: {  	s1 =	smul.u32 $0x58, s21  }
0x158: {  	s3 =	smul.u32 $0xB000, s21;
	s21 =	sadd.s32 $0x1, s21  }
0x159: {  	p1 =	sne.s32 s21, $0x8  }
.Ltmp7:
0x15a: {  	_ = 	snop;
	(pc) =	sbr.rel @p1 .LBB2_8-.Ltmp7, $4  }
.Ltmp8:
0x15b: {  	s1 =	sadd.s32 s6, s1;
	(pc) =	sbr.rel @!p1 .LBB2_17-.Ltmp8, $4  }
0x15c: {  	s19 =	sadd.s32 $0x58, s19;
	s3 =	sshra.s32 s3, $0x2;
	s1 =	sshll.u32 s1, $0x4  }
0x15d: {  	s20 =	sadd.s32 $0x58, s20;
	s3 =	sadd.s32 $0x700, s3;
	s1 =	sadd.s32 s4, s1  }
0x15e: {  	[hbm4b:s1+s2] =	stream.linear.scatter [tilespmem:s3], [sflag:$0x2], $0x2C00, $0x38;
	[tilespmem:$0x16700] =	vst v63  }
0x15f: {  	_ = 	snop  }
.LBB2_9:
.Ltmp9:
0x160: {  	(pc) =	sbr.rel .LBB2_14-.Ltmp9, $2  }
0x161: {  	_ =	sdelay $0x2  }
0x162: {  	s22 =	simm.s32 $0x0  }
.LBB2_11:
.Ltmp10:
0x163: {  	(pc) =	sbr.rel .LBB2_14-.Ltmp10, $3  }
0x164: {  	_ =	sdelay $0x1  }
0x165: {  	v37 =	vmovc v63;
	v38 =	vmovc v53;
	v18 =	vmov v33;
	v63 =	vmov v24;
	v53 =	vmov v27  }
0x166: {  	v36 =	vld [tilespmem:$0x1FFD0];
	v27 =	vmovc v49;
	v31 =	vmovc v14;
	v51 =	vmov v13;
	v52 =	vmov v9;
	v55 =	vmov v10  }
.LBB2_2:
0x167: {  	[tilespmem:s18], [sflag:$0x1] =	stream.linear.gather [hbm4b:s5+s18], $0x140, $0x38;
	[tilespmem:$0x16700] =	vst v63  }
0x168: {  	_ = 	snop  }
0x169: {  	[tilespmem:s13], [sflag:$0x1] =	stream.linear.gather [hbm4b:s7+s18], $0x140, $0x38;
	[tilespmem:$0x16700] =	vst v63  }
0x16a: {  	_ =	swait.ge [sflag:s14], $0x140  }
0x16b: {  	[sflag:s14] =	ssyncset.done $0x0  }
0x16c: {  	[sflag:s14] =	ssyncadd.s32 $0xFFFFFEC0  }
0x16d: {  	_ =	swait.ge [sflag:s14], $0x140  }
0x16e: {  	[sflag:s14] =	ssyncset.done $0x0  }
0x16f: {  	[sflag:s14] =	ssyncadd.s32 $0xFFFFFEC0  }
0x170: {  	_ =	swait.ge [sflag:s14], $0x100  }
0x171: {  	[sflag:s14] =	ssyncset.done $0x0  }
0x172: {  	s19 =	simm.s32 $0x20;
	s20 =	simm.s32 $0x0;
	[sflag:s14] =	ssyncadd.s32 $0xFFFFFF00  }
.LBB2_3:
0x173: {  	s26 =	smul.u32 $0x28, s20;
	_ =	sdelay $0x1  }
0x174: {  	v12 =	vor.u32 s26, v8  }
0x175: {  	s21 =	sor.u32 $0x4, s26  }
0x176: {  	v39 =	vor.u32 s21, v8;
	_ =	sdelay $0x2  }
0x177: {  	s3 =	sadd.s32 $0x8, s26;
	v13 =	vld.idx.msk [tilespmem:v12+s18+$0x0], $0xffff  }
0x178: {  	v16 =	vor.u32 s3, v8;
	v14 =	vld.idx.msk [tilespmem:v12+s13+$0x0], $0xffff  }
0x179: {  	s1 =	sadd.s32 $0xC, s26;
	v17 =	vld.idx.msk [tilespmem:v39+s18+$0x0], $0xffff  }
0x17a: {  	v41 =	vor.u32 s1, v8;
	v18 =	vld.idx.msk [tilespmem:v39+s13+$0x0], $0xffff  }
0x17b: {  	s23 =	sadd.s32 $0x10, s26  }
0x17c: {  	v22 =	vor.u32 s23, v8  }
0x17d: {  	s25 =	sadd.s32 $0x14, s26;
	v40 =	vld.idx.msk [tilespmem:v16+s18+$0x0], $0xffff;
	v13 =	vsel vm0, v13, v14  }
0x17e: {  	v23 =	vor.u32 s25, v8;
	v19 =	vld.idx.msk [tilespmem:v16+s13+$0x0], $0xffff;
	v13 =	vshll.u32 v13, v51  }
0x17f: {  	v42 =	vld.idx.msk [tilespmem:v41+s18+$0x0], $0xffff;
	v17 =	vsel vm0, v17, v18;
	v13 =	vadd.s32 v52, v13  }
0x180: {  	v43 =	vld.idx.msk [tilespmem:v41+s13+$0x0], $0xffff;
	v17 =	vshll.u32 v17, v51  }
0x181: {  	s24 =	sadd.s32 $0x18, s26;
	v47 =	vld.idx.msk [tilespmem:v22+s18+$0x0], $0xffff;
	v17 =	vadd.s32 v52, v17  }
0x182: {  	v48 =	vor.u32 s24, v8;
	v24 =	vld.idx.msk [tilespmem:v22+s13+$0x0], $0xffff  }
0x183: {  	s22 =	sadd.s32 $0x1C, s26;
	v12 =	vshll.u32 v12, $0x7;
	v50 =	vld.idx.msk [tilespmem:v23+s18+$0x0], $0xffff  }
0x184: {  	v27 =	vor.u32 s22, v8;
	v12 =	vor.u32 v55, v12;
	v13 =	vld.idx.msk [tilespmem:v13+s12+$0x0], $0xffff  }
0x185: {  	v15 =	vor.u32 s26, v60;
	v53 =	vld.idx.msk [tilespmem:v23+s13+$0x0], $0xffff;
	v14 =	vshll.u32 v39, $0x7  }
0x186: {  	v14 =	vor.u32 v55, v14;
	v17 =	vld.idx.msk [tilespmem:v17+s12+$0x0], $0xffff  }
0x187: {  	v21 =	vor.u32 s21, v60;
	v29 =	vld.idx.msk [tilespmem:v48+s18+$0x0], $0xffff  }
0x188: {  	v54 =	vld.idx.msk [tilespmem:v48+s13+$0x0], $0xffff  }
0x189: {  	v30 =	vld.idx.msk [tilespmem:v27+s18+$0x0], $0xffff;
	[tilespmem:v12+s15+$0x0] =	vst.idx.msk $0xffff, v13  }
0x18a: {  	v12 =	vld.idx.msk [tilespmem:v15+s18+$0x0], $0xffff  }
0x18b: {  	v20 =	vld.idx.msk [tilespmem:v15+s13+$0x0], $0xffff;
	[tilespmem:v14+s15+$0x0] =	vst.idx.msk $0xffff, v17  }
0x18c: {  	v13 =	vsel vm0, v40, v19;
	v17 =	vld.idx.msk [tilespmem:v21+s18+$0x0], $0xffff  }
0x18d: {  	v49 =	vshll.u32 v15, $0x7;
	v13 =	vshll.u32 v13, v51;
	v25 =	vld.idx.msk [tilespmem:v21+s13+$0x0], $0xffff  }
0x18e: {  	v16 =	vshll.u32 v16, $0x7;
	v31 =	vld.idx.msk [tilespmem:v27+s13+$0x0], $0xffff;
	v19 =	vsel vm0, v42, v43;
	v13 =	vadd.s32 v52, v13  }
0x18f: {  	v46 =	vshll.u32 v19, v51;
	v19 =	vsel vm0, v47, v24;
	v15 =	vsel vm0, v50, v53  }
0x190: {  	v16 =	vor.u32 v55, v16;
	v19 =	vshll.u32 v19, v51;
	v15 =	vshll.u32 v15, v51  }
0x191: {  	v19 =	vadd.s32 v52, v19;
	v15 =	vadd.s32 v52, v15;
	v12 =	vsel vm1, v12, v20  }
0x192: {  	v12 =	vshll.u32 v12, v57;
	v17 =	vsel vm1, v17, v25;
	v25 =	vsel vm0, v29, v54  }
0x193: {  	v36 =	vsel vm0, v30, v31;
	v13 =	vld.idx.msk [tilespmem:v13+s12+$0x0], $0xffff;
	v12 =	vadd.s32 v58, v12;
	v25 =	vshll.u32 v25, v51  }
0x194: {  	v45 =	vor.u32 s3, v60;
	v35 =	vadd.s32 v52, v25;
	v25 =	vshll.u32 v36, v51  }
0x195: {  	v23 =	vshll.u32 v23, $0x7;
	v25 =	vadd.s32 v52, v25  }
0x196: {  	v38 =	vor.u32 v55, v23;
	v17 =	vshll.u32 v17, v57;
	v15 =	vld.idx.msk [tilespmem:v15+s12+$0x0], $0xffff  }
0x197: {  	v22 =	vshll.u32 v22, $0x7;
	v19 =	vld.idx.msk [tilespmem:v19+s12+$0x0], $0xffff;
	v17 =	vadd.s32 v58, v17  }
0x198: {  	v22 =	vor.u32 v55, v22;
	[tilespmem:v16+s15+$0x0] =	vst.idx.msk $0xffff, v13;
	v44 =	vld.idx.msk [tilespmem:v12+s12+$0x0], $0xffff;
	v12 =	vadd.s32 v52, v46  }
0x199: {  	v32 =	vor.u32 s23, v60;
	v27 =	vshll.u32 v27, $0x7;
	v16 =	vld.idx.msk [tilespmem:v45+s18+$0x0], $0xffff  }
0x19a: {  	v27 =	vor.u32 v55, v27;
	v25 =	vld.idx.msk [tilespmem:v25+s12+$0x0], $0xffff  }
0x19b: {  	v59 =	vld.idx.msk [tilespmem:v45+s13+$0x0], $0xffff;
	[tilespmem:v38+s15+$0x0] =	vst.idx.msk $0xffff, v15;
	v15 =	vor.u32 s22, v60  }
0x19c: {  	v18 =	vshll.u32 v41, $0x7;
	v17 =	vld.idx.msk [tilespmem:v17+s12+$0x0], $0xffff  }
0x19d: {  	v18 =	vor.u32 v55, v18;
	[tilespmem:v22+s15+$0x0] =	vst.idx.msk $0xffff, v19;
	v26 =	vld.idx.msk [tilespmem:v12+s12+$0x0], $0xffff  }
0x19e: {  	v63 =	vor.u32 s1, v60;
	v22 =	vld.idx.msk [tilespmem:v32+s18+$0x0], $0xffff  }
0x19f: {  	v40 =	vld.idx.msk [tilespmem:v32+s13+$0x0], $0xffff;
	[tilespmem:v27+s15+$0x0] =	vst.idx.msk $0xffff, v25  }
0x1a0: {  	v28 =	vor.u32 v3, v49;
	v39 =	vor.u32 s25, v60;
	v16 =	vsel vm1, v16, v59;
	v27 =	vld.idx.msk [tilespmem:v15+s18+$0x0], $0xffff  }
0x1a1: {  	v42 =	vshll.u32 v21, $0x7;
	v13 =	vshll.u32 v48, $0x7;
	v16 =	vshll.u32 v16, v57;
	v33 =	vld.idx.msk [tilespmem:v15+s13+$0x0], $0xffff  }
0x1a2: {  	v13 =	vor.u32 v55, v13;
	v16 =	vadd.s32 v58, v16;
	[tilespmem:v18+s15+$0x0] =	vst.idx.msk $0xffff, v26;
	v18 =	vld.idx.msk [tilespmem:v35+s12+$0x0], $0xffff  }
0x1a3: {  	v41 =	vor.u32 s24, v60;
	v19 =	vor.u32 v3, v42;
	v37 =	vld.idx.msk [tilespmem:v63+s18+$0x0], $0xffff  }
0x1a4: {  	v26 =	vld.idx.msk [tilespmem:v63+s13+$0x0], $0xffff  }
0x1a5: {  	v14 =	vshll.u32 v45, $0x7;
	v43 =	vld.idx.msk [tilespmem:v39+s18+$0x0], $0xffff;
	v12 =	vor.u32 s26, v56;
	v22 =	vsel vm1, v22, v40  }
0x1a6: {  	[tilespmem:v28+s15+$0x0] =	vst.idx.msk $0xffff, v44;
	v44 =	vld.idx.msk [tilespmem:v39+s13+$0x0], $0xffff;
	v22 =	vshll.u32 v22, v57;
	v27 =	vsel vm1, v27, v33  }
0x1a7: {  	v22 =	vadd.s32 v58, v22;
	v16 =	vld.idx.msk [tilespmem:v16+s12+$0x0], $0xffff;
	v38 =	vshll.u32 v27, v57;
	[tilespmem:v13+s15+$0x0] =	vst.idx.msk $0xffff, v18  }
0x1a8: {  	v14 =	vor.u32 v3, v14;
	[tilespmem:v19+s15+$0x0] =	vst.idx.msk $0xffff, v17;
	v17 =	vadd.s32 v58, v38;
	v18 =	vld.idx.msk [tilespmem:v41+s18+$0x0], $0xffff  }
0x1a9: {  	v25 =	vor.u32 s3, v56;
	v20 =	vsel vm1, v37, v26;
	v45 =	vld.idx.msk [tilespmem:v41+s13+$0x0], $0xffff  }
0x1aa: {  	v24 =	vld.idx.msk [tilespmem:v12+s18+$0x0], $0xffff;
	v20 =	vshll.u32 v20, v57  }
0x1ab: {  	v29 =	vld.idx.msk [tilespmem:v12+s13+$0x0], $0xffff;
	v20 =	vadd.s32 v58, v20  }
0x1ac: {  	v15 =	vshll.u32 v15, $0x7;
	v22 =	vld.idx.msk [tilespmem:v22+s12+$0x0], $0xffff;
	v13 =	vor.u32 s21, v56  }
0x1ad: {  	v28 =	vshll.u32 v63, $0x7;
	v15 =	vor.u32 v3, v15;
	[tilespmem:v14+s15+$0x0] =	vst.idx.msk $0xffff, v16;
	v17 =	vld.idx.msk [tilespmem:v17+s12+$0x0], $0xffff  }
0x1ae: {  	v48 =	vsel vm1, v43, v44;
	v43 =	vor.u32 s22, v56;
	v63 =	vld.idx.msk [tilespmem:v25+s18+$0x0], $0xffff;
	v59 =	vsel vm1, v18, v45  }
0x1af: {  	v37 =	vld.idx.msk [tilespmem:v25+s13+$0x0], $0xffff;
	v16 =	vshll.u32 v59, v57  }
0x1b0: {  	v47 =	vor.u32 v3, v28;
	v46 =	vld.idx.msk [tilespmem:v20+s12+$0x0], $0xffff;
	v16 =	vadd.s32 v58, v16  }
0x1b1: {  	v49 =	vor.u32 s1, v56;
	v50 =	vld.idx.msk [tilespmem:v13+s18+$0x0], $0xffff;
	v20 =	vshll.u32 v48, v57  }
0x1b2: {  	v35 =	vshll.u32 v32, $0x7;
	v53 =	vld.idx.msk [tilespmem:v13+s13+$0x0], $0xffff;
	v54 =	vadd.s32 v58, v20;
	[tilespmem:v15+s15+$0x0] =	vst.idx.msk $0xffff, v17  }
0x1b3: {  	v20 =	vor.u32 v3, v35;
	v15 =	vld.idx.msk [tilespmem:v43+s18+$0x0], $0xffff  }
0x1b4: {  	v31 =	vshll.u32 v41, $0x7;
	v36 =	vor.u32 s23, v56;
	v17 =	vld.idx.msk [tilespmem:v43+s13+$0x0], $0xffff  }
0x1b5: {  	v41 =	vor.u32 v3, v31;
	[tilespmem:v47+s15+$0x0] =	vst.idx.msk $0xffff, v46;
	v16 =	vld.idx.msk [tilespmem:v16+s12+$0x0], $0xffff  }
0x1b6: {  	v23 =	vshll.u32 v39, $0x7;
	v42 =	vor.u32 s24, v56;
	v19 =	vld.idx.msk [tilespmem:v49+s18+$0x0], $0xffff  }
0x1b7: {  	v23 =	vor.u32 v3, v23;
	v14 =	vld.idx.msk [tilespmem:v54+s12+$0x0], $0xffff  }
0x1b8: {  	v39 =	vor.u32 s25, v56;
	v40 =	vld.idx.msk [tilespmem:v49+s13+$0x0], $0xffff;
	[tilespmem:v20+s15+$0x0] =	vst.idx.msk $0xffff, v22  }
0x1b9: {  	v22 =	vld.idx.msk [tilespmem:v36+s18+$0x0], $0xffff  }
0x1ba: {  	v24 =	vsel vm2, v29, v24;
	v34 =	vld.idx.msk [tilespmem:v36+s13+$0x0], $0xffff;
	[tilespmem:v41+s15+$0x0] =	vst.idx.msk $0xffff, v16  }
0x1bb: {  	v24 =	vshll.u32 v24, v62;
	v16 =	vld.idx.msk [tilespmem:v42+s18+$0x0], $0xffff  }
0x1bc: {  	v44 =	vadd.s32 v61, v24;
	v18 =	vsel vm2, v37, v63;
	[tilespmem:v23+s15+$0x0] =	vst.idx.msk $0xffff, v14;
	v20 =	vld.idx.msk [tilespmem:v42+s13+$0x0], $0xffff  }
0x1bd: {  	v13 =	vshll.u32 v13, $0x7;
	v18 =	vshll.u32 v18, v62;
	v26 =	vsel vm2, v53, v50;
	v23 =	vld.idx.msk [tilespmem:v39+s18+$0x0], $0xffff  }
0x1be: {  	v18 =	vadd.s32 v61, v18;
	v45 =	vshll.u32 v26, v62;
	v15 =	vsel vm2, v17, v15;
	v35 =	vld.idx.msk [tilespmem:v39+s13+$0x0], $0xffff  }
0x1bf: {  	v13 =	vor.u32 v11, v13;
	v46 =	vadd.s32 v61, v45;
	v15 =	vshll.u32 v15, v62  }
0x1c0: {  	v47 =	vshll.u32 v25, $0x7;
	v15 =	vadd.s32 v61, v15;
	v19 =	vsel vm2, v40, v19  }
0x1c1: {  	v24 =	vor.u32 v11, v47;
	v22 =	vsel vm2, v34, v22;
	v19 =	vshll.u32 v19, v62  }
0x1c2: {  	v19 =	vadd.s32 v61, v19;
	v22 =	vshll.u32 v22, v62;
	v16 =	vsel vm2, v20, v16  }
0x1c3: {  	v18 =	vld.idx.msk [tilespmem:v18+s12+$0x0], $0xffff;
	v22 =	vadd.s32 v61, v22;
	v23 =	vsel vm2, v35, v23;
	v16 =	vshll.u32 v16, v62  }
0x1c4: {  	v17 =	vld.idx.msk [tilespmem:v46+s12+$0x0], $0xffff;
	v14 =	vshll.u32 v43, $0x7;
	v23 =	vshll.u32 v23, v62;
	v16 =	vadd.s32 v61, v16  }
0x1c5: {  	v12 =	vshll.u32 v12, $0x7;
	v14 =	vor.u32 v11, v14;
	v15 =	vld.idx.msk [tilespmem:v15+s12+$0x0], $0xffff;
	v23 =	vadd.s32 v61, v23  }
0x1c6: {  	v21 =	vshll.u32 v49, $0x7;
	v12 =	vor.u32 v11, v12;
	v20 =	vld.idx.msk [tilespmem:v44+s12+$0x0], $0xffff  }
0x1c7: {  	v21 =	vor.u32 v11, v21;
	v48 =	vshll.u32 v36, $0x7;
	v19 =	vld.idx.msk [tilespmem:v19+s12+$0x0], $0xffff  }
0x1c8: {  	v25 =	vor.u32 v11, v48;
	v54 =	vshll.u32 v42, $0x7;
	[tilespmem:v24+s15+$0x0] =	vst.idx.msk $0xffff, v18;
	v22 =	vld.idx.msk [tilespmem:v22+s12+$0x0], $0xffff  }
0x1c9: {  	v49 =	vshll.u32 v39, $0x7;
	v63 =	vor.u32 v11, v54;
	[tilespmem:v13+s15+$0x0] =	vst.idx.msk $0xffff, v17;
	v59 =	vld.idx.msk [tilespmem:v16+s12+$0x0], $0xffff  }
0x1ca: {  	v53 =	vor.u32 v11, v49;
	[tilespmem:v14+s15+$0x0] =	vst.idx.msk $0xffff, v15;
	v50 =	vld.idx.msk [tilespmem:v23+s12+$0x0], $0xffff  }
0x1cb: {  	[tilespmem:v12+s15+$0x0] =	vst.idx.msk $0xffff, v20  }
0x1cc: {  	[tilespmem:v21+s15+$0x0] =	vst.idx.msk $0xffff, v19  }
0x1cd: {  	[tilespmem:v25+s15+$0x0] =	vst.idx.msk $0xffff, v22  }
0x1ce: {  	[tilespmem:v63+s15+$0x0] =	vst.idx.msk $0xffff, v59  }
0x1cf: {  	s1 =	simm.s32 $0x0;
	[tilespmem:v53+s15+$0x0] =	vst.idx.msk $0xffff, v50  }
.LBB2_4:
0x1d0: {  	s3 =	sadd.s32 s1, s19  }
0x1d1: {  	v12 =	vor.u32 s3, v8;
	_ =	sdelay $0x4  }
0x1d2: {  	v13 =	vld.idx.msk [tilespmem:v12+s2+$0x0], $0xffff  }
0x1d3: {  	v14 =	vld.idx.msk [tilespmem:v12+s13+$0x0], $0xffff;
	_ =	sdelay $0x4  }
0x1d4: {  	v13 =	vsel vm0, v13, v14  }
0x1d5: {  	v13 =	vshll.u32 v13, v51  }
0x1d6: {  	v13 =	vadd.s32 v52, v13;
	_ =	sdelay $0x3  }
0x1d7: {  	v12 =	vshll.u32 v12, $0x7  }
0x1d8: {  	v12 =	vor.u32 v55, v12;
	v13 =	vld.idx.msk [tilespmem:v13+s12+$0x0], $0xffff  }
0x1d9: {  	v53 =	vor.u32 s3, v60;
	_ =	sdelay $0x3  }
0x1da: {  	[tilespmem:v12+s15+$0x0] =	vst.idx.msk $0xffff, v13  }
0x1db: {  	v12 =	vld.idx.msk [tilespmem:v53+s2+$0x0], $0xffff  }
0x1dc: {  	v13 =	vld.idx.msk [tilespmem:v53+s13+$0x0], $0xffff;
	_ =	sdelay $0x4  }
0x1dd: {  	v12 =	vsel vm1, v12, v13  }
0x1de: {  	v12 =	vshll.u32 v12, v57  }
0x1df: {  	v12 =	vadd.s32 v58, v12;
	_ =	sdelay $0x3  }
0x1e0: {  	v54 =	vshll.u32 v53, $0x7  }
0x1e1: {  	v13 =	vor.u32 v3, v54;
	v12 =	vld.idx.msk [tilespmem:v12+s12+$0x0], $0xffff  }
0x1e2: {  	v59 =	vor.u32 s3, v56;
	_ =	sdelay $0x3  }
0x1e3: {  	[tilespmem:v13+s15+$0x0] =	vst.idx.msk $0xffff, v12  }
0x1e4: {  	v12 =	vld.idx.msk [tilespmem:v59+s2+$0x0], $0xffff  }
0x1e5: {  	v13 =	vld.idx.msk [tilespmem:v59+s13+$0x0], $0xffff;
	_ =	sdelay $0x4  }
0x1e6: {  	v12 =	vsel vm2, v13, v12  }
0x1e7: {  	v12 =	vshll.u32 v12, v62  }
0x1e8: {  	v12 =	vadd.s32 v61, v12;
	_ =	sdelay $0x3  }
0x1e9: {  	v63 =	vshll.u32 v59, $0x7  }
0x1ea: {  	p1 =	sne.s32 s1, $0x4;
	v13 =	vor.u32 v11, v63;
	v12 =	vld.idx.msk [tilespmem:v12+s12+$0x0], $0xffff  }
.Ltmp11:
0x1eb: {  	_ = 	snop;
	(pc) =	sbr.rel @p1 .LBB2_4-.Ltmp11, $2  }
0x1ec: {  	_ =	sdelay $0x2  }
0x1ed: {  	s1 =	sadd.s32 $0x4, s1;
	[tilespmem:v13+s15+$0x0] =	vst.idx.msk $0xffff, v12  }
0x1ee: {  	s1 =	smul.u32 $0x5000, s20  }
0x1ef: {  	s3 =	smul.u32 $0x280, s20;
	s20 =	sadd.s32 $0x1, s20  }
0x1f0: {  	p1 =	sne.s32 s20, $0x8  }
.Ltmp12:
0x1f1: {  	_ = 	snop;
	(pc) =	sbr.rel @p1 .LBB2_3-.Ltmp12, $4  }
0x1f2: {  	_ = 	snop  }
0x1f3: {  	s1 =	sshra.s32 s1, $0x2  }
0x1f4: {  	s19 =	sadd.s32 $0x28, s19;
	s3 =	sadd.s32 s3, s8;
	s1 =	sadd.s32 $0x700, s1  }
0x1f5: {  	[hbm4b:s3+s2] =	stream.linear.scatter [tilespmem:s1], [sflag:$0x2], $0x1400, $0x38;
	[tilespmem:$0x16700] =	vst v63  }
0x1f6: {  	_ =	swait.ge [sflag:s16], $0x1400  }
0x1f7: {  	[sflag:s16] =	ssyncset.done $0x0  }
0x1f8: {  	[sflag:s16] =	ssyncadd.s32 $0xFFFFEC00  }
0x1f9: {  	_ =	swait.ge [sflag:s16], $0x1400  }
0x1fa: {  	[sflag:s16] =	ssyncset.done $0x0  }
0x1fb: {  	[sflag:s16] =	ssyncadd.s32 $0xFFFFEC00  }
0x1fc: {  	_ =	swait.ge [sflag:s16], $0x1400  }
0x1fd: {  	[sflag:s16] =	ssyncset.done $0x0  }
0x1fe: {  	[sflag:s16] =	ssyncadd.s32 $0xFFFFEC00  }
0x1ff: {  	_ =	swait.ge [sflag:s16], $0x1400  }
0x200: {  	[sflag:s16] =	ssyncset.done $0x0  }
0x201: {  	[sflag:s16] =	ssyncadd.s32 $0xFFFFEC00  }
0x202: {  	_ =	swait.ge [sflag:s16], $0x1400  }
0x203: {  	[sflag:s16] =	ssyncset.done $0x0  }
0x204: {  	[sflag:s16] =	ssyncadd.s32 $0xFFFFEC00  }
0x205: {  	_ =	swait.ge [sflag:s16], $0x1400  }
0x206: {  	[sflag:s16] =	ssyncset.done $0x0  }
0x207: {  	[sflag:s16] =	ssyncadd.s32 $0xFFFFEC00  }
0x208: {  	_ =	swait.ge [sflag:s16], $0x1400  }
.Ltmp13:
0x209: {  	[sflag:s16] =	ssyncset.done $0x0;
	(pc) =	sbr.rel .LBB2_18-.Ltmp13, $4  }
0x20a: {  	[sflag:s16] =	ssyncadd.s32 $0xFFFFEC00  }
0x20b: {  	_ =	swait.ge [sflag:s16], $0x1400  }
0x20c: {  	[sflag:s16] =	ssyncset.done $0x0  }
0x20d: {  	[sflag:s16] =	ssyncadd.s32 $0xFFFFEC00  }
.LBB2_19:
0x20e: {  	_ =	sfence.sel $0x180000  }
0x20f: {  	[bflag:$0x0] =	sbarrier.arrive $0xFFFF  }
0x210: {  	_ =	strace $0x90000047  }
0x211: {  	s0 =	stileid.u32;
	[bflag:$0x2] =	sbarrier.arrive $0xFFFF  }
0x212: {  	p0 =	sne.s32 s0, $0x0;
	s0 =	rddreg [dreg:$0x4]  }
0x213: {  	s0 =	sadd.s32 @!p0 $0x100000, s0  }
0x214: {  	[sflag:s0] =	ssyncadd.tile.s32 @!p0 $0x1;
	_ =	shalt  }
.Lfunc_end2:
_tile_overlayer_lowered:
.L_overlay_start_2:
0x215: {  	(tag) =	ssettag $0x2  }
0x216: {  	s0 =	rddreg [dreg:$0x0];
	s2 =	stileid.u32  }
0x217: {  	s1 =	rddreg [dreg:$0x1];
	p0 =	sne.s32 s2, $0x0  }
0x218: {  	s3 =	rddreg [dreg:$0x2];
	[bflag:$0x3] =	sbarrier.arrive $0xFFFF;
	s2 =	simm.s32 @!p0 $0x1C03  }
0x219: {  	[timem:s3], [sflag:s2] =	dma.local @!p0 [hbm:s0], s1  }
0x21a: {  	s0 =	simm.s32 @!p0 $0x3  }
0x21b: {  	_ =	swait.ge @!p0 [sflag:s0], s1  }
0x21c: {  	s1 =	ssub.s32 @!p0 $0x0, s1;
	[sflag:s0] =	ssyncset.done @!p0 $0x0  }
0x21d: {  	[sflag:s0] =	ssyncadd.s32 @!p0 s1  }
0x21e: {  	[bflag:$0x3] =	sbarrier.arrive $0xFFFF  }
0x21f: {  	_ =	shalt  }

</sc_bundles>
